<compile_context>
chip_gen: v7x
topology: tpu7x:2x2x1
jax: 0.10.2.dev20260603
libtpu: 0.0.44.dev20260713+nightly
codegen_flags: <defaults>
</compile_context>

<pallas_src>
import functools

import jax
import jax.numpy as jnp
from jax import lax
from jax.experimental import pallas as pl
from jax.experimental.pallas import tpu as pltpu
from jax.experimental.pallas import tpu_sc as plsc

N_FIELDS = 26
VOCAB = 100
EMB_DIM = 128
BATCH = 4096
IN_DIM = N_FIELDS * EMB_DIM
OUT_DIM = 512
N_HEADS = 3
ALL_OUT = OUT_DIM * N_HEADS

NUM_WORKERS = 32
BROWS = BATCH // NUM_WORKERS
_DEPTH = 6
_INFLIGHT = 4


@functools.cache
def _get_sc_gather():
    mesh = plsc.VectorSubcoreMesh(core_axis_name="c", subcore_axis_name="s")

    @functools.partial(
        pl.kernel,
        mesh=mesh,
        out_type=jax.ShapeDtypeStruct((BATCH, IN_DIM), jnp.float32),
        scratch_types=[
            pltpu.VMEM_SHARED((N_FIELDS * VOCAB, EMB_DIM), jnp.float32),
            pltpu.VMEM((N_FIELDS * BROWS,), jnp.int32),
            pltpu.VMEM((N_FIELDS * BROWS,), jnp.int32),
            pltpu.VMEM((_DEPTH, BROWS, EMB_DIM), jnp.float32),
            [pltpu.SemaphoreType.DMA] * _DEPTH,
            [pltpu.SemaphoreType.DMA] * _DEPTH,
        ],
        compiler_params=pltpu.CompilerParams(
            use_tc_tiling_on_sc=True, needs_layout_passes=False
        ),
    )
    def _sc_gather(
        table_hbm, prof_hbm, out_hbm, tab_sp, prof_v, idx_v, bufs, gsems, wsems
    ):
        wid = lax.axis_index("s") * 2 + lax.axis_index("c")
        base = wid * BROWS
        n = N_FIELDS * BROWS

        @pl.when(lax.axis_index("s") == 0)
        def _stage():
            pltpu.sync_copy(table_hbm, tab_sp)

        pltpu.sync_copy(prof_hbm.at[pl.ds(wid * n, n)], prof_v)
        plsc.subcore_barrier()

        def build(t, _):
            r0 = t * 16
            v = prof_v[pl.ds(r0, 16)]
            r = lax.iota(jnp.int32, 16) + r0
            q = (r * 2521) >> 16
            i = r - q * N_FIELDS
            plsc.store_scatter(idx_v, [i * BROWS + q], v + i * VOCAB)
            return 0

        lax.fori_loop(0, n // 16, build, 0)

        def gather(i):
            b = i % _DEPTH
            return pltpu.async_copy(
                tab_sp.at[idx_v.at[pl.ds(i * BROWS, BROWS)]], bufs.at[b], gsems[b]
            )

        gcp = {i: gather(i) for i in range(_INFLIGHT)}
        wcp = {}
        for i in range(N_FIELDS):
            b = i % _DEPTH
            gcp.pop(i).wait()
            wcp[i] = pltpu.async_copy(
                bufs.at[b],
                out_hbm.at[pl.ds(base, BROWS), pl.ds(i * EMB_DIM, EMB_DIM)],
                wsems[b],
            )
            nxt = i + _INFLIGHT
            if nxt < N_FIELDS:
                if nxt - _DEPTH >= 0:
                    wcp.pop(nxt - _DEPTH).wait()
                gcp[nxt] = gather(nxt)
        for i in sorted(wcp):
            wcp.pop(i).wait()

    return _sc_gather


def _mm_kernel(e_ref, w_ref, b_ref, o1_ref, o2_ref, o3_ref):
    acc = (
        jnp.dot(
            e_ref[...].astype(jnp.bfloat16),
            w_ref[...],
            preferred_element_type=jnp.float32,
        )
        + b_ref[...]
    )
    o1_ref[...] = acc[:, :OUT_DIM]
    o2_ref[...] = acc[:, OUT_DIM : 2 * OUT_DIM]
    o3_ref[...] = acc[:, 2 * OUT_DIM :]


_BM = 512


def _matmul(e, Wall_t, ball2):
    head = jax.ShapeDtypeStruct((BATCH, OUT_DIM), jnp.float32)
    return pl.pallas_call(
        _mm_kernel,
        grid=(BATCH // _BM,),
        in_specs=[
            pl.BlockSpec((_BM, IN_DIM), lambda m: (m, 0)),
            pl.BlockSpec((IN_DIM, ALL_OUT), lambda m: (0, 0)),
            pl.BlockSpec((1, ALL_OUT), lambda m: (0, 0)),
        ],
        out_specs=[
            pl.BlockSpec((_BM, OUT_DIM), lambda m: (m, 0)),
            pl.BlockSpec((_BM, OUT_DIM), lambda m: (m, 0)),
            pl.BlockSpec((_BM, OUT_DIM), lambda m: (m, 0)),
        ],
        out_shape=[head, head, head],
    )(e, Wall_t, ball2)


@jax.jit
def _run(profile, emb, Wall_t, ball):
    table = emb.reshape(N_FIELDS * VOCAB, EMB_DIM)
    e = _get_sc_gather()(table, profile.reshape(-1))
    return _matmul(e, Wall_t, ball[None, :])


def kernel(profile, emb, Wd, bd, Wp, bp, Wm, bm):
    Wall_t = jnp.concatenate([Wd, Wp, Wm], axis=0).T.astype(jnp.bfloat16)
    ball = jnp.concatenate([bd, bp, bm])
    return _run(profile, emb, Wall_t, ball)

# --- scband reference (transcript-rebuilt; emitter-appended) ---
"""Pipeline reference for scband-profile-encoder-65266323030066 (READ-ONLY COPY).

The authoritative reference and input builder live on the scoring server;
editing this copy changes nothing except your own understanding.
"""

import jax, jax.numpy as jnp
import numpy as np

N_FIELDS = 26
VOCAB = 100
EMB_DIM = 128
PROMPT_NUM = 4
BATCH = 4096
IN_DIM = N_FIELDS * EMB_DIM
OUT_DIM = EMB_DIM * PROMPT_NUM


def setup_inputs(seed: int = 0):
    key = jax.random.key(seed)
    ks = jax.random.split(key, 8)
    profile = jax.random.randint(ks[0], (BATCH, N_FIELDS), 0, VOCAB, dtype=jnp.int32)
    emb = jax.random.normal(ks[1], (N_FIELDS, VOCAB, EMB_DIM), dtype=jnp.float32)
    s = 1.0 / float(np.sqrt(IN_DIM))
    Wd = jax.random.uniform(ks[2], (OUT_DIM, IN_DIM), minval=-s, maxval=s, dtype=jnp.float32)
    bd = jax.random.uniform(ks[3], (OUT_DIM,), minval=-s, maxval=s, dtype=jnp.float32)
    Wp = jax.random.uniform(ks[4], (OUT_DIM, IN_DIM), minval=-s, maxval=s, dtype=jnp.float32)
    bp = jax.random.uniform(ks[5], (OUT_DIM,), minval=-s, maxval=s, dtype=jnp.float32)
    Wm = jax.random.uniform(ks[6], (OUT_DIM, IN_DIM), minval=-s, maxval=s, dtype=jnp.float32)
    bm = jax.random.uniform(ks[7], (OUT_DIM,), minval=-s, maxval=s, dtype=jnp.float32)
    return {"profile": profile, "emb": emb, "Wd": Wd, "bd": bd, "Wp": Wp, "bp": bp, "Wm": Wm, "bm": bm}


def reference(profile, emb, Wd, bd, Wp, bp, Wm, bm):
    # per-field embedding lookup (gather), then concat
    vecs = [jnp.take(emb[i], profile[:, i], axis=0) for i in range(N_FIELDS)]
    e = jnp.concatenate(vecs, axis=-1)  # [B, N_FIELDS*EMB_DIM]
    diag = e @ Wd.T + bd
    proc = e @ Wp.T + bp
    med = e @ Wm.T + bm
    return (diag, proc, med)

if __name__ == "__main__":
    import jax
    _d = setup_inputs()
    print(jax.jit(kernel)(*tuple(_d.values())))

</pallas_src>

<mosaic_0001>
#map = affine_map<(d0, d1) -> (0, 0)>
#map1 = affine_map<(d0, d1) -> (0)>
module attributes {stable_mosaic.version = 14 : i64} {
  func.func @_sc_gather(%arg0: i32, %arg1: i32, %arg2: memref<2600x128xf32, #tpu.memory_space<hbm>>, %arg3: memref<106496xi32, #tpu.memory_space<hbm>>, %arg4: memref<4096x3328xf32, #tpu.memory_space<hbm>>, %arg5: memref<2600x128xf32, #tpu.memory_space<vmem_shared>>, %arg6: memref<3328xi32, #tpu.memory_space<vmem>>, %arg7: memref<3328xi32, #tpu.memory_space<vmem>>, %arg8: memref<6x128x128xf32, #tpu.memory_space<vmem>>, %arg9: memref<!tpu.dma_semaphore, #tpu.memory_space<semaphore_mem>>, %arg10: memref<!tpu.dma_semaphore, #tpu.memory_space<semaphore_mem>>, %arg11: memref<!tpu.dma_semaphore, #tpu.memory_space<semaphore_mem>>, %arg12: memref<!tpu.dma_semaphore, #tpu.memory_space<semaphore_mem>>, %arg13: memref<!tpu.dma_semaphore, #tpu.memory_space<semaphore_mem>>, %arg14: memref<!tpu.dma_semaphore, #tpu.memory_space<semaphore_mem>>, %arg15: memref<!tpu.dma_semaphore, #tpu.memory_space<semaphore_mem>>, %arg16: memref<!tpu.dma_semaphore, #tpu.memory_space<semaphore_mem>>, %arg17: memref<!tpu.dma_semaphore, #tpu.memory_space<semaphore_mem>>, %arg18: memref<!tpu.dma_semaphore, #tpu.memory_space<semaphore_mem>>, %arg19: memref<!tpu.dma_semaphore, #tpu.memory_space<semaphore_mem>>, %arg20: memref<!tpu.dma_semaphore, #tpu.memory_space<semaphore_mem>>) attributes {dimension_semantics = [#tpu.dimension_semantics<core_parallel>, #tpu.dimension_semantics<subcore_parallel>], iteration_bounds = array<i64: 2, 16>, scalar_prefetch = 0 : i64, scratch_operands = 16 : i64, tpu.core_type = #tpu.core_type<sc_vector_subcore>, window_params = [{transform_indices = #map}, {transform_indices = #map1}, {transform_indices = #map}]} {
    %mul3A = arith.constant 2 : i32
    %mul3A_0 = arith.muli %arg1, %mul3A : i32
    %add3A = arith.addi %mul3A_0, %arg0 : i32
    %mul3A_1 = arith.constant 128 : i32
    %mul3A_2 = arith.muli %add3A, %mul3A_1 : i32
    %eq3A = arith.constant 0 : i32
    %eq3A_3 = arith.cmpi eq, %arg1, %eq3A : i32
    %convert_element_type3A = arith.extui %eq3A_3 : i1 to i32
    %cond3A = arith.constant 0 : i32
    %cond3A_4 = arith.cmpi ne, %convert_element_type3A, %cond3A : i32
    scf.if %cond3A_4 {
      "tpu.region"() ({
        %run_scoped3A = tpu.sem_alloc : memref<!tpu.dma_semaphore, #tpu.memory_space<semaphore_mem>>
        tpu.enqueue_dma source(%arg2 : memref<2600x128xf32, #tpu.memory_space<hbm>>) target(%arg5 : memref<2600x128xf32, #tpu.memory_space<vmem_shared>>) target_semaphore(%run_scoped3A : memref<!tpu.dma_semaphore, #tpu.memory_space<semaphore_mem>>)
        tpu.wait_dma2 semaphore(%run_scoped3A : memref<!tpu.dma_semaphore, #tpu.memory_space<semaphore_mem>>) src(%arg2 : memref<2600x128xf32, #tpu.memory_space<hbm>>) dst(%arg5 : memref<2600x128xf32, #tpu.memory_space<vmem_shared>>)
        tpu.yield
      }) : () -> ()
    } else {
    }
    %mul3A_5 = arith.constant 3328 : i32
    %mul3A_6 = arith.muli %add3A, %mul3A_5 : i32
    "tpu.region"() ({
      %run_scoped3A = tpu.sem_alloc : memref<!tpu.dma_semaphore, #tpu.memory_space<semaphore_mem>>
      %dma_start3A_1207 = tpu.memref_slice %arg3[%mul3A_6] : memref<106496xi32, #tpu.memory_space<hbm>> -> memref<3328xi32, #tpu.memory_space<hbm>>
      %dma_start3A_1208 = tpu.memref_slice %arg3[%mul3A_6] : memref<106496xi32, #tpu.memory_space<hbm>> -> memref<3328xi32, #tpu.memory_space<hbm>>
      tpu.enqueue_dma source(%dma_start3A_1208 : memref<3328xi32, #tpu.memory_space<hbm>>) target(%arg6 : memref<3328xi32, #tpu.memory_space<vmem>>) target_semaphore(%run_scoped3A : memref<!tpu.dma_semaphore, #tpu.memory_space<semaphore_mem>>)
      %dma_wait3A_1209 = tpu.memref_slice %arg3[%mul3A_6] : memref<106496xi32, #tpu.memory_space<hbm>> -> memref<3328xi32, #tpu.memory_space<hbm>>
      %dma_wait3A_1210 = tpu.memref_slice %arg3[%mul3A_6] : memref<106496xi32, #tpu.memory_space<hbm>> -> memref<3328xi32, #tpu.memory_space<hbm>>
      tpu.wait_dma2 semaphore(%run_scoped3A : memref<!tpu.dma_semaphore, #tpu.memory_space<semaphore_mem>>) src(%dma_wait3A_1210 : memref<3328xi32, #tpu.memory_space<hbm>>) dst(%arg6 : memref<3328xi32, #tpu.memory_space<vmem>>)
      tpu.yield
    }) : () -> ()
    %barrier3A = arith.constant 0 : index
    tpu.barrier barrier_id(%barrier3A)
    %scan3A = arith.constant 0 : i32
    %scan3A_7 = arith.constant 0 : i32
    %scan3A_8 = arith.constant 208 : i32
    %scan3A_9 = arith.addi %scan3A_7, %scan3A_8 : i32
    %scan3A_10 = arith.constant 1 : i32
    %scan3A_11 = scf.for %scan3A_1207 = %scan3A_7 to %scan3A_9 step %scan3A_10 iter_args(%scan3A_1208 = %scan3A) -> (i32)  : i32 {
      %mul3A_1209 = arith.constant 16 : i32
      %mul3A_1210 = arith.muli %scan3A_1207, %mul3A_1209 : i32
      %get3A = arith.index_cast %mul3A_1210 : i32 to index
      %get3A_1211 = tpu.vector_load %arg6[%get3A] {strides = array<i32>} : memref<3328xi32, #tpu.memory_space<vmem>>, vector<16xi32>,
      %iota3A = tpu.iota {dimensions = array<i32: 0>} : vector<16xi32>
      %add3A_1212 = vector.broadcast %mul3A_1210 : i32 to vector<16xi32>
      %add3A_1213 = arith.addi %iota3A, %add3A_1212 : vector<16xi32>
      %mul3A_1214 = arith.constant 2521 : i32
      %mul3A_1215 = vector.broadcast %mul3A_1214 : i32 to vector<16xi32>
      %mul3A_1216 = arith.muli %add3A_1213, %mul3A_1215 : vector<16xi32>
      %shift_right_arithmetic3A = arith.constant 16 : i32
      %shift_right_arithmetic3A_1217 = vector.broadcast %shift_right_arithmetic3A : i32 to vector<16xi32>
      %shift_right_arithmetic3A_1218 = arith.shrsi %mul3A_1216, %shift_right_arithmetic3A_1217 : vector<16xi32>
      %mul3A_1219 = arith.constant 26 : i32
      %mul3A_1220 = vector.broadcast %mul3A_1219 : i32 to vector<16xi32>
      %mul3A_1221 = arith.muli %shift_right_arithmetic3A_1218, %mul3A_1220 : vector<16xi32>
      %sub3A = arith.subi %add3A_1213, %mul3A_1221 : vector<16xi32>
      %mul3A_1222 = arith.constant 128 : i32
      %mul3A_1223 = vector.broadcast %mul3A_1222 : i32 to vector<16xi32>
      %mul3A_1224 = arith.muli %sub3A, %mul3A_1223 : vector<16xi32>
      %add3A_1225 = arith.addi %mul3A_1224, %shift_right_arithmetic3A_1218 : vector<16xi32>
      %mul3A_1226 = arith.constant 100 : i32
      %mul3A_1227 = vector.broadcast %mul3A_1226 : i32 to vector<16xi32>
      %mul3A_1228 = arith.muli %sub3A, %mul3A_1227 : vector<16xi32>
      %add3A_1229 = arith.addi %get3A_1211, %mul3A_1228 : vector<16xi32>
      tpu.vector_store_idx %arg7[%add3A_1225], %add3A_1229 : memref<3328xi32, #tpu.memory_space<vmem>>[vector<16xi32>], vector<16xi32>,
      %scan3A_1230 = arith.constant 0 : i32
      scf.yield %scan3A_1230 : i32
    }
    %scan3A_12 = arith.constant 208 : i32
    %dma_start3A = arith.constant 0 : i32
    %dma_start3A_13 = arith.constant 0 : i32
    %dma_start3A_14 = arith.constant 0 : i32
    %dma_start3A_15 = tpu.memref_slice %arg8[%dma_start3A, %dma_start3A_13, %dma_start3A_14] : memref<6x128x128xf32, #tpu.memory_space<vmem>> -> memref<1x128x128xf32, #tpu.memory_space<vmem>>
    %dma_start3A_16 = tpu.memref_squeeze %dma_start3A_15 : memref<1x128x128xf32, #tpu.memory_space<vmem>> -> memref<128x128xf32, #tpu.memory_space<vmem>>
    %dma_start3A_17 = arith.constant 0 : i32
    %dma_start3A_18 = tpu.memref_slice %arg7[%dma_start3A_17] : memref<3328xi32, #tpu.memory_space<vmem>> -> memref<128xi32, #tpu.memory_space<vmem>>
    %dma_start3A_19 = arith.constant 0 : i32
    %dma_start3A_20 = arith.constant 0 : i32
    %dma_start3A_21 = tpu.memref_slice %arg5[%dma_start3A_19, %dma_start3A_20] : memref<2600x128xf32, #tpu.memory_space<vmem_shared>> -> memref<2600x128xf32, #tpu.memory_space<vmem_shared>>
    tpu.enqueue_indirect_dma source(%dma_start3A_21 : memref<2600x128xf32, #tpu.memory_space<vmem_shared>>) target(%dma_start3A_16 : memref<128x128xf32, #tpu.memory_space<vmem>>) offsets(%dma_start3A_18 : memref<128xi32, #tpu.memory_space<vmem>>) semaphore(%arg9 : memref<!tpu.dma_semaphore, #tpu.memory_space<semaphore_mem>>)
    %dma_start3A_22 = arith.constant 1 : i32
    %dma_start3A_23 = arith.constant 0 : i32
    %dma_start3A_24 = arith.constant 0 : i32
    %dma_start3A_25 = tpu.memref_slice %arg8[%dma_start3A_22, %dma_start3A_23, %dma_start3A_24] : memref<6x128x128xf32, #tpu.memory_space<vmem>> -> memref<1x128x128xf32, #tpu.memory_space<vmem>>
    %dma_start3A_26 = tpu.memref_squeeze %dma_start3A_25 : memref<1x128x128xf32, #tpu.memory_space<vmem>> -> memref<128x128xf32, #tpu.memory_space<vmem>>
    %dma_start3A_27 = arith.constant 128 : i32
    %dma_start3A_28 = tpu.memref_slice %arg7[%dma_start3A_27] : memref<3328xi32, #tpu.memory_space<vmem>> -> memref<128xi32, #tpu.memory_space<vmem>>
    %dma_start3A_29 = arith.constant 0 : i32
    %dma_start3A_30 = arith.constant 0 : i32
    %dma_start3A_31 = tpu.memref_slice %arg5[%dma_start3A_29, %dma_start3A_30] : memref<2600x128xf32, #tpu.memory_space<vmem_shared>> -> memref<2600x128xf32, #tpu.memory_space<vmem_shared>>
    tpu.enqueue_indirect_dma source(%dma_start3A_31 : memref<2600x128xf32, #tpu.memory_space<vmem_shared>>) target(%dma_start3A_26 : memref<128x128xf32, #tpu.memory_space<vmem>>) offsets(%dma_start3A_28 : memref<128xi32, #tpu.memory_space<vmem>>) semaphore(%arg10 : memref<!tpu.dma_semaphore, #tpu.memory_space<semaphore_mem>>)
    %dma_start3A_32 = arith.constant 2 : i32
    %dma_start3A_33 = arith.constant 0 : i32
    %dma_start3A_34 = arith.constant 0 : i32
    %dma_start3A_35 = tpu.memref_slice %arg8[%dma_start3A_32, %dma_start3A_33, %dma_start3A_34] : memref<6x128x128xf32, #tpu.memory_space<vmem>> -> memref<1x128x128xf32, #tpu.memory_space<vmem>>
    %dma_start3A_36 = tpu.memref_squeeze %dma_start3A_35 : memref<1x128x128xf32, #tpu.memory_space<vmem>> -> memref<128x128xf32, #tpu.memory_space<vmem>>
    %dma_start3A_37 = arith.constant 256 : i32
    %dma_start3A_38 = tpu.memref_slice %arg7[%dma_start3A_37] : memref<3328xi32, #tpu.memory_space<vmem>> -> memref<128xi32, #tpu.memory_space<vmem>>
    %dma_start3A_39 = arith.constant 0 : i32
    %dma_start3A_40 = arith.constant 0 : i32
    %dma_start3A_41 = tpu.memref_slice %arg5[%dma_start3A_39, %dma_start3A_40] : memref<2600x128xf32, #tpu.memory_space<vmem_shared>> -> memref<2600x128xf32, #tpu.memory_space<vmem_shared>>
    tpu.enqueue_indirect_dma source(%dma_start3A_41 : memref<2600x128xf32, #tpu.memory_space<vmem_shared>>) target(%dma_start3A_36 : memref<128x128xf32, #tpu.memory_space<vmem>>) offsets(%dma_start3A_38 : memref<128xi32, #tpu.memory_space<vmem>>) semaphore(%arg11 : memref<!tpu.dma_semaphore, #tpu.memory_space<semaphore_mem>>)
    %dma_start3A_42 = arith.constant 3 : i32
    %dma_start3A_43 = arith.constant 0 : i32
    %dma_start3A_44 = arith.constant 0 : i32
    %dma_start3A_45 = tpu.memref_slice %arg8[%dma_start3A_42, %dma_start3A_43, %dma_start3A_44] : memref<6x128x128xf32, #tpu.memory_space<vmem>> -> memref<1x128x128xf32, #tpu.memory_space<vmem>>
    %dma_start3A_46 = tpu.memref_squeeze %dma_start3A_45 : memref<1x128x128xf32, #tpu.memory_space<vmem>> -> memref<128x128xf32, #tpu.memory_space<vmem>>
    %dma_start3A_47 = arith.constant 384 : i32
    %dma_start3A_48 = tpu.memref_slice %arg7[%dma_start3A_47] : memref<3328xi32, #tpu.memory_space<vmem>> -> memref<128xi32, #tpu.memory_space<vmem>>
    %dma_start3A_49 = arith.constant 0 : i32
    %dma_start3A_50 = arith.constant 0 : i32
    %dma_start3A_51 = tpu.memref_slice %arg5[%dma_start3A_49, %dma_start3A_50] : memref<2600x128xf32, #tpu.memory_space<vmem_shared>> -> memref<2600x128xf32, #tpu.memory_space<vmem_shared>>
    tpu.enqueue_indirect_dma source(%dma_start3A_51 : memref<2600x128xf32, #tpu.memory_space<vmem_shared>>) target(%dma_start3A_46 : memref<128x128xf32, #tpu.memory_space<vmem>>) offsets(%dma_start3A_48 : memref<128xi32, #tpu.memory_space<vmem>>) semaphore(%arg12 : memref<!tpu.dma_semaphore, #tpu.memory_space<semaphore_mem>>)
    %dma_wait3A = arith.constant 0 : i32
    %dma_wait3A_52 = arith.constant 0 : i32
    %dma_wait3A_53 = arith.constant 0 : i32
    %dma_wait3A_54 = tpu.memref_slice %arg8[%dma_wait3A, %dma_wait3A_52, %dma_wait3A_53] : memref<6x128x128xf32, #tpu.memory_space<vmem>> -> memref<1x128x128xf32, #tpu.memory_space<vmem>>
    %dma_wait3A_55 = tpu.memref_squeeze %dma_wait3A_54 : memref<1x128x128xf32, #tpu.memory_space<vmem>> -> memref<128x128xf32, #tpu.memory_space<vmem>>
    %dma_wait3A_56 = arith.constant 0 : i32
    %dma_wait3A_57 = tpu.memref_slice %arg7[%dma_wait3A_56] : memref<3328xi32, #tpu.memory_space<vmem>> -> memref<128xi32, #tpu.memory_space<vmem>>
    %dma_wait3A_58 = arith.constant 0 : i32
    %dma_wait3A_59 = arith.constant 0 : i32
    %dma_wait3A_60 = tpu.memref_slice %arg5[%dma_wait3A_58, %dma_wait3A_59] : memref<2600x128xf32, #tpu.memory_space<vmem_shared>> -> memref<2600x128xf32, #tpu.memory_space<vmem_shared>>
    tpu.wait_indirect_dma semaphore(%arg9 : memref<!tpu.dma_semaphore, #tpu.memory_space<semaphore_mem>>) src(%dma_wait3A_60 : memref<2600x128xf32, #tpu.memory_space<vmem_shared>>) dst(%dma_wait3A_55 : memref<128x128xf32, #tpu.memory_space<vmem>>)
    %dma_start3A_61 = arith.constant 0 : i32
    %dma_start3A_62 = arith.constant 0 : i32
    %dma_start3A_63 = arith.constant 0 : i32
    %dma_start3A_64 = tpu.memref_slice %arg8[%dma_start3A_61, %dma_start3A_62, %dma_start3A_63] : memref<6x128x128xf32, #tpu.memory_space<vmem>> -> memref<1x128x128xf32, #tpu.memory_space<vmem>>
    %dma_start3A_65 = tpu.memref_squeeze %dma_start3A_64 : memref<1x128x128xf32, #tpu.memory_space<vmem>> -> memref<128x128xf32, #tpu.memory_space<vmem>>
    %dma_start3A_66 = arith.constant 0 : i32
    %dma_start3A_67 = tpu.memref_slice %arg4[%mul3A_2, %dma_start3A_66] : memref<4096x3328xf32, #tpu.memory_space<hbm>> -> memref<128x128xf32, #tpu.memory_space<hbm>>
    %dma_start3A_68 = arith.constant 0 : i32
    %dma_start3A_69 = tpu.memref_slice %arg4[%mul3A_2, %dma_start3A_68] : memref<4096x3328xf32, #tpu.memory_space<hbm>> -> memref<128x128xf32, #tpu.memory_space<hbm>>
    %dma_start3A_70 = arith.constant 0 : i32
    %dma_start3A_71 = arith.constant 0 : i32
    %dma_start3A_72 = tpu.memref_slice %arg8[%dma_start3A_61, %dma_start3A_70, %dma_start3A_71] : memref<6x128x128xf32, #tpu.memory_space<vmem>> -> memref<1x128x128xf32, #tpu.memory_space<vmem>>
    %dma_start3A_73 = tpu.memref_squeeze %dma_start3A_72 : memref<1x128x128xf32, #tpu.memory_space<vmem>> -> memref<128x128xf32, #tpu.memory_space<vmem>>
    tpu.enqueue_dma source(%dma_start3A_73 : memref<128x128xf32, #tpu.memory_space<vmem>>) target(%dma_start3A_69 : memref<128x128xf32, #tpu.memory_space<hbm>>) target_semaphore(%arg15 : memref<!tpu.dma_semaphore, #tpu.memory_space<semaphore_mem>>)
    %dma_start3A_74 = arith.constant 4 : i32
    %dma_start3A_75 = arith.constant 0 : i32
    %dma_start3A_76 = arith.constant 0 : i32
    %dma_start3A_77 = tpu.memref_slice %arg8[%dma_start3A_74, %dma_start3A_75, %dma_start3A_76] : memref<6x128x128xf32, #tpu.memory_space<vmem>> -> memref<1x128x128xf32, #tpu.memory_space<vmem>>
    %dma_start3A_78 = tpu.memref_squeeze %dma_start3A_77 : memref<1x128x128xf32, #tpu.memory_space<vmem>> -> memref<128x128xf32, #tpu.memory_space<vmem>>
    %dma_start3A_79 = arith.constant 512 : i32
    %dma_start3A_80 = tpu.memref_slice %arg7[%dma_start3A_79] : memref<3328xi32, #tpu.memory_space<vmem>> -> memref<128xi32, #tpu.memory_space<vmem>>
    %dma_start3A_81 = arith.constant 0 : i32
    %dma_start3A_82 = arith.constant 0 : i32
    %dma_start3A_83 = tpu.memref_slice %arg5[%dma_start3A_81, %dma_start3A_82] : memref<2600x128xf32, #tpu.memory_space<vmem_shared>> -> memref<2600x128xf32, #tpu.memory_space<vmem_shared>>
    tpu.enqueue_indirect_dma source(%dma_start3A_83 : memref<2600x128xf32, #tpu.memory_space<vmem_shared>>) target(%dma_start3A_78 : memref<128x128xf32, #tpu.memory_space<vmem>>) offsets(%dma_start3A_80 : memref<128xi32, #tpu.memory_space<vmem>>) semaphore(%arg13 : memref<!tpu.dma_semaphore, #tpu.memory_space<semaphore_mem>>)
    %dma_wait3A_84 = arith.constant 1 : i32
    %dma_wait3A_85 = arith.constant 0 : i32
    %dma_wait3A_86 = arith.constant 0 : i32
    %dma_wait3A_87 = tpu.memref_slice %arg8[%dma_wait3A_84, %dma_wait3A_85, %dma_wait3A_86] : memref<6x128x128xf32, #tpu.memory_space<vmem>> -> memref<1x128x128xf32, #tpu.memory_space<vmem>>
    %dma_wait3A_88 = tpu.memref_squeeze %dma_wait3A_87 : memref<1x128x128xf32, #tpu.memory_space<vmem>> -> memref<128x128xf32, #tpu.memory_space<vmem>>
    %dma_wait3A_89 = arith.constant 128 : i32
    %dma_wait3A_90 = tpu.memref_slice %arg7[%dma_wait3A_89] : memref<3328xi32, #tpu.memory_space<vmem>> -> memref<128xi32, #tpu.memory_space<vmem>>
    %dma_wait3A_91 = arith.constant 0 : i32
    %dma_wait3A_92 = arith.constant 0 : i32
    %dma_wait3A_93 = tpu.memref_slice %arg5[%dma_wait3A_91, %dma_wait3A_92] : memref<2600x128xf32, #tpu.memory_space<vmem_shared>> -> memref<2600x128xf32, #tpu.memory_space<vmem_shared>>
    tpu.wait_indirect_dma semaphore(%arg10 : memref<!tpu.dma_semaphore, #tpu.memory_space<semaphore_mem>>) src(%dma_wait3A_93 : memref<2600x128xf32, #tpu.memory_space<vmem_shared>>) dst(%dma_wait3A_88 : memref<128x128xf32, #tpu.memory_space<vmem>>)
    %dma_start3A_94 = arith.constant 1 : i32
    %dma_start3A_95 = arith.constant 0 : i32
    %dma_start3A_96 = arith.constant 0 : i32
    %dma_start3A_97 = tpu.memref_slice %arg8[%dma_start3A_94, %dma_start3A_95, %dma_start3A_96] : memref<6x128x128xf32, #tpu.memory_space<vmem>> -> memref<1x128x128xf32, #tpu.memory_space<vmem>>
    %dma_start3A_98 = tpu.memref_squeeze %dma_start3A_97 : memref<1x128x128xf32, #tpu.memory_space<vmem>> -> memref<128x128xf32, #tpu.memory_space<vmem>>
    %dma_start3A_99 = arith.constant 128 : i32
    %dma_start3A_100 = tpu.memref_slice %arg4[%mul3A_2, %dma_start3A_99] : memref<4096x3328xf32, #tpu.memory_space<hbm>> -> memref<128x128xf32, #tpu.memory_space<hbm>>
    %dma_start3A_101 = arith.constant 128 : i32
    %dma_start3A_102 = tpu.memref_slice %arg4[%mul3A_2, %dma_start3A_101] : memref<4096x3328xf32, #tpu.memory_space<hbm>> -> memref<128x128xf32, #tpu.memory_space<hbm>>
    %dma_start3A_103 = arith.constant 0 : i32
    %dma_start3A_104 = arith.constant 0 : i32
    %dma_start3A_105 = tpu.memref_slice %arg8[%dma_start3A_94, %dma_start3A_103, %dma_start3A_104] : memref<6x128x128xf32, #tpu.memory_space<vmem>> -> memref<1x128x128xf32, #tpu.memory_space<vmem>>
    %dma_start3A_106 = tpu.memref_squeeze %dma_start3A_105 : memref<1x128x128xf32, #tpu.memory_space<vmem>> -> memref<128x128xf32, #tpu.memory_space<vmem>>
    tpu.enqueue_dma source(%dma_start3A_106 : memref<128x128xf32, #tpu.memory_space<vmem>>) target(%dma_start3A_102 : memref<128x128xf32, #tpu.memory_space<hbm>>) target_semaphore(%arg16 : memref<!tpu.dma_semaphore, #tpu.memory_space<semaphore_mem>>)
    %dma_start3A_107 = arith.constant 5 : i32
    %dma_start3A_108 = arith.constant 0 : i32
    %dma_start3A_109 = arith.constant 0 : i32
    %dma_start3A_110 = tpu.memref_slice %arg8[%dma_start3A_107, %dma_start3A_108, %dma_start3A_109] : memref<6x128x128xf32, #tpu.memory_space<vmem>> -> memref<1x128x128xf32, #tpu.memory_space<vmem>>
    %dma_start3A_111 = tpu.memref_squeeze %dma_start3A_110 : memref<1x128x128xf32, #tpu.memory_space<vmem>> -> memref<128x128xf32, #tpu.memory_space<vmem>>
    %dma_start3A_112 = arith.constant 640 : i32
    %dma_start3A_113 = tpu.memref_slice %arg7[%dma_start3A_112] : memref<3328xi32, #tpu.memory_space<vmem>> -> memref<128xi32, #tpu.memory_space<vmem>>
    %dma_start3A_114 = arith.constant 0 : i32
    %dma_start3A_115 = arith.constant 0 : i32
    %dma_start3A_116 = tpu.memref_slice %arg5[%dma_start3A_114, %dma_start3A_115] : memref<2600x128xf32, #tpu.memory_space<vmem_shared>> -> memref<2600x128xf32, #tpu.memory_space<vmem_shared>>
    tpu.enqueue_indirect_dma source(%dma_start3A_116 : memref<2600x128xf32, #tpu.memory_space<vmem_shared>>) target(%dma_start3A_111 : memref<128x128xf32, #tpu.memory_space<vmem>>) offsets(%dma_start3A_113 : memref<128xi32, #tpu.memory_space<vmem>>) semaphore(%arg14 : memref<!tpu.dma_semaphore, #tpu.memory_space<semaphore_mem>>)
    %dma_wait3A_117 = arith.constant 2 : i32
    %dma_wait3A_118 = arith.constant 0 : i32
    %dma_wait3A_119 = arith.constant 0 : i32
    %dma_wait3A_120 = tpu.memref_slice %arg8[%dma_wait3A_117, %dma_wait3A_118, %dma_wait3A_119] : memref<6x128x128xf32, #tpu.memory_space<vmem>> -> memref<1x128x128xf32, #tpu.memory_space<vmem>>
    %dma_wait3A_121 = tpu.memref_squeeze %dma_wait3A_120 : memref<1x128x128xf32, #tpu.memory_space<vmem>> -> memref<128x128xf32, #tpu.memory_space<vmem>>
    %dma_wait3A_122 = arith.constant 256 : i32
    %dma_wait3A_123 = tpu.memref_slice %arg7[%dma_wait3A_122] : memref<3328xi32, #tpu.memory_space<vmem>> -> memref<128xi32, #tpu.memory_space<vmem>>
    %dma_wait3A_124 = arith.constant 0 : i32
    %dma_wait3A_125 = arith.constant 0 : i32
    %dma_wait3A_126 = tpu.memref_slice %arg5[%dma_wait3A_124, %dma_wait3A_125] : memref<2600x128xf32, #tpu.memory_space<vmem_shared>> -> memref<2600x128xf32, #tpu.memory_space<vmem_shared>>
    tpu.wait_indirect_dma semaphore(%arg11 : memref<!tpu.dma_semaphore, #tpu.memory_space<semaphore_mem>>) src(%dma_wait3A_126 : memref<2600x128xf32, #tpu.memory_space<vmem_shared>>) dst(%dma_wait3A_121 : memref<128x128xf32, #tpu.memory_space<vmem>>)
    %dma_start3A_127 = arith.constant 2 : i32
    %dma_start3A_128 = arith.constant 0 : i32
    %dma_start3A_129 = arith.constant 0 : i32
    %dma_start3A_130 = tpu.memref_slice %arg8[%dma_start3A_127, %dma_start3A_128, %dma_start3A_129] : memref<6x128x128xf32, #tpu.memory_space<vmem>> -> memref<1x128x128xf32, #tpu.memory_space<vmem>>
    %dma_start3A_131 = tpu.memref_squeeze %dma_start3A_130 : memref<1x128x128xf32, #tpu.memory_space<vmem>> -> memref<128x128xf32, #tpu.memory_space<vmem>>
    %dma_start3A_132 = arith.constant 256 : i32
    %dma_start3A_133 = tpu.memref_slice %arg4[%mul3A_2, %dma_start3A_132] : memref<4096x3328xf32, #tpu.memory_space<hbm>> -> memref<128x128xf32, #tpu.memory_space<hbm>>
    %dma_start3A_134 = arith.constant 256 : i32
    %dma_start3A_135 = tpu.memref_slice %arg4[%mul3A_2, %dma_start3A_134] : memref<4096x3328xf32, #tpu.memory_space<hbm>> -> memref<128x128xf32, #tpu.memory_space<hbm>>
    %dma_start3A_136 = arith.constant 0 : i32
    %dma_start3A_137 = arith.constant 0 : i32
    %dma_start3A_138 = tpu.memref_slice %arg8[%dma_start3A_127, %dma_start3A_136, %dma_start3A_137] : memref<6x128x128xf32, #tpu.memory_space<vmem>> -> memref<1x128x128xf32, #tpu.memory_space<vmem>>
    %dma_start3A_139 = tpu.memref_squeeze %dma_start3A_138 : memref<1x128x128xf32, #tpu.memory_space<vmem>> -> memref<128x128xf32, #tpu.memory_space<vmem>>
    tpu.enqueue_dma source(%dma_start3A_139 : memref<128x128xf32, #tpu.memory_space<vmem>>) target(%dma_start3A_135 : memref<128x128xf32, #tpu.memory_space<hbm>>) target_semaphore(%arg17 : memref<!tpu.dma_semaphore, #tpu.memory_space<semaphore_mem>>)
    %dma_wait3A_140 = arith.constant 0 : i32
    %dma_wait3A_141 = arith.constant 0 : i32
    %dma_wait3A_142 = arith.constant 0 : i32
    %dma_wait3A_143 = tpu.memref_slice %arg8[%dma_wait3A_140, %dma_wait3A_141, %dma_wait3A_142] : memref<6x128x128xf32, #tpu.memory_space<vmem>> -> memref<1x128x128xf32, #tpu.memory_space<vmem>>
    %dma_wait3A_144 = tpu.memref_squeeze %dma_wait3A_143 : memref<1x128x128xf32, #tpu.memory_space<vmem>> -> memref<128x128xf32, #tpu.memory_space<vmem>>
    %dma_wait3A_145 = arith.constant 0 : i32
    %dma_wait3A_146 = tpu.memref_slice %arg4[%mul3A_2, %dma_wait3A_145] : memref<4096x3328xf32, #tpu.memory_space<hbm>> -> memref<128x128xf32, #tpu.memory_space<hbm>>
    %dma_wait3A_147 = arith.constant 0 : i32
    %dma_wait3A_148 = tpu.memref_slice %arg4[%mul3A_2, %dma_wait3A_147] : memref<4096x3328xf32, #tpu.memory_space<hbm>> -> memref<128x128xf32, #tpu.memory_space<hbm>>
    %dma_wait3A_149 = arith.constant 0 : i32
    %dma_wait3A_150 = arith.constant 0 : i32
    %dma_wait3A_151 = tpu.memref_slice %arg8[%dma_wait3A_140, %dma_wait3A_149, %dma_wait3A_150] : memref<6x128x128xf32, #tpu.memory_space<vmem>> -> memref<1x128x128xf32, #tpu.memory_space<vmem>>
    %dma_wait3A_152 = tpu.memref_squeeze %dma_wait3A_151 : memref<1x128x128xf32, #tpu.memory_space<vmem>> -> memref<128x128xf32, #tpu.memory_space<vmem>>
    tpu.wait_dma2 semaphore(%arg15 : memref<!tpu.dma_semaphore, #tpu.memory_space<semaphore_mem>>) src(%dma_wait3A_152 : memref<128x128xf32, #tpu.memory_space<vmem>>) dst(%dma_wait3A_148 : memref<128x128xf32, #tpu.memory_space<hbm>>)
    %dma_start3A_153 = arith.constant 0 : i32
    %dma_start3A_154 = arith.constant 0 : i32
    %dma_start3A_155 = arith.constant 0 : i32
    %dma_start3A_156 = tpu.memref_slice %arg8[%dma_start3A_153, %dma_start3A_154, %dma_start3A_155] : memref<6x128x128xf32, #tpu.memory_space<vmem>> -> memref<1x128x128xf32, #tpu.memory_space<vmem>>
    %dma_start3A_157 = tpu.memref_squeeze %dma_start3A_156 : memref<1x128x128xf32, #tpu.memory_space<vmem>> -> memref<128x128xf32, #tpu.memory_space<vmem>>
    %dma_start3A_158 = arith.constant 768 : i32
    %dma_start3A_159 = tpu.memref_slice %arg7[%dma_start3A_158] : memref<3328xi32, #tpu.memory_space<vmem>> -> memref<128xi32, #tpu.memory_space<vmem>>
    %dma_start3A_160 = arith.constant 0 : i32
    %dma_start3A_161 = arith.constant 0 : i32
    %dma_start3A_162 = tpu.memref_slice %arg5[%dma_start3A_160, %dma_start3A_161] : memref<2600x128xf32, #tpu.memory_space<vmem_shared>> -> memref<2600x128xf32, #tpu.memory_space<vmem_shared>>
    tpu.enqueue_indirect_dma source(%dma_start3A_162 : memref<2600x128xf32, #tpu.memory_space<vmem_shared>>) target(%dma_start3A_157 : memref<128x128xf32, #tpu.memory_space<vmem>>) offsets(%dma_start3A_159 : memref<128xi32, #tpu.memory_space<vmem>>) semaphore(%arg9 : memref<!tpu.dma_semaphore, #tpu.memory_space<semaphore_mem>>)
    %dma_wait3A_163 = arith.constant 3 : i32
    %dma_wait3A_164 = arith.constant 0 : i32
    %dma_wait3A_165 = arith.constant 0 : i32
    %dma_wait3A_166 = tpu.memref_slice %arg8[%dma_wait3A_163, %dma_wait3A_164, %dma_wait3A_165] : memref<6x128x128xf32, #tpu.memory_space<vmem>> -> memref<1x128x128xf32, #tpu.memory_space<vmem>>
    %dma_wait3A_167 = tpu.memref_squeeze %dma_wait3A_166 : memref<1x128x128xf32, #tpu.memory_space<vmem>> -> memref<128x128xf32, #tpu.memory_space<vmem>>
    %dma_wait3A_168 = arith.constant 384 : i32
    %dma_wait3A_169 = tpu.memref_slice %arg7[%dma_wait3A_168] : memref<3328xi32, #tpu.memory_space<vmem>> -> memref<128xi32, #tpu.memory_space<vmem>>
    %dma_wait3A_170 = arith.constant 0 : i32
    %dma_wait3A_171 = arith.constant 0 : i32
    %dma_wait3A_172 = tpu.memref_slice %arg5[%dma_wait3A_170, %dma_wait3A_171] : memref<2600x128xf32, #tpu.memory_space<vmem_shared>> -> memref<2600x128xf32, #tpu.memory_space<vmem_shared>>
    tpu.wait_indirect_dma semaphore(%arg12 : memref<!tpu.dma_semaphore, #tpu.memory_space<semaphore_mem>>) src(%dma_wait3A_172 : memref<2600x128xf32, #tpu.memory_space<vmem_shared>>) dst(%dma_wait3A_167 : memref<128x128xf32, #tpu.memory_space<vmem>>)
    %dma_start3A_173 = arith.constant 3 : i32
    %dma_start3A_174 = arith.constant 0 : i32
    %dma_start3A_175 = arith.constant 0 : i32
    %dma_start3A_176 = tpu.memref_slice %arg8[%dma_start3A_173, %dma_start3A_174, %dma_start3A_175] : memref<6x128x128xf32, #tpu.memory_space<vmem>> -> memref<1x128x128xf32, #tpu.memory_space<vmem>>
    %dma_start3A_177 = tpu.memref_squeeze %dma_start3A_176 : memref<1x128x128xf32, #tpu.memory_space<vmem>> -> memref<128x128xf32, #tpu.memory_space<vmem>>
    %dma_start3A_178 = arith.constant 384 : i32
    %dma_start3A_179 = tpu.memref_slice %arg4[%mul3A_2, %dma_start3A_178] : memref<4096x3328xf32, #tpu.memory_space<hbm>> -> memref<128x128xf32, #tpu.memory_space<hbm>>
    %dma_start3A_180 = arith.constant 384 : i32
    %dma_start3A_181 = tpu.memref_slice %arg4[%mul3A_2, %dma_start3A_180] : memref<4096x3328xf32, #tpu.memory_space<hbm>> -> memref<128x128xf32, #tpu.memory_space<hbm>>
    %dma_start3A_182 = arith.constant 0 : i32
    %dma_start3A_183 = arith.constant 0 : i32
    %dma_start3A_184 = tpu.memref_slice %arg8[%dma_start3A_173, %dma_start3A_182, %dma_start3A_183] : memref<6x128x128xf32, #tpu.memory_space<vmem>> -> memref<1x128x128xf32, #tpu.memory_space<vmem>>
    %dma_start3A_185 = tpu.memref_squeeze %dma_start3A_184 : memref<1x128x128xf32, #tpu.memory_space<vmem>> -> memref<128x128xf32, #tpu.memory_space<vmem>>
    tpu.enqueue_dma source(%dma_start3A_185 : memref<128x128xf32, #tpu.memory_space<vmem>>) target(%dma_start3A_181 : memref<128x128xf32, #tpu.memory_space<hbm>>) target_semaphore(%arg18 : memref<!tpu.dma_semaphore, #tpu.memory_space<semaphore_mem>>)
    %dma_wait3A_186 = arith.constant 1 : i32
    %dma_wait3A_187 = arith.constant 0 : i32
    %dma_wait3A_188 = arith.constant 0 : i32
    %dma_wait3A_189 = tpu.memref_slice %arg8[%dma_wait3A_186, %dma_wait3A_187, %dma_wait3A_188] : memref<6x128x128xf32, #tpu.memory_space<vmem>> -> memref<1x128x128xf32, #tpu.memory_space<vmem>>
    %dma_wait3A_190 = tpu.memref_squeeze %dma_wait3A_189 : memref<1x128x128xf32, #tpu.memory_space<vmem>> -> memref<128x128xf32, #tpu.memory_space<vmem>>
    %dma_wait3A_191 = arith.constant 128 : i32
    %dma_wait3A_192 = tpu.memref_slice %arg4[%mul3A_2, %dma_wait3A_191] : memref<4096x3328xf32, #tpu.memory_space<hbm>> -> memref<128x128xf32, #tpu.memory_space<hbm>>
    %dma_wait3A_193 = arith.constant 128 : i32
    %dma_wait3A_194 = tpu.memref_slice %arg4[%mul3A_2, %dma_wait3A_193] : memref<4096x3328xf32, #tpu.memory_space<hbm>> -> memref<128x128xf32, #tpu.memory_space<hbm>>
    %dma_wait3A_195 = arith.constant 0 : i32
    %dma_wait3A_196 = arith.constant 0 : i32
    %dma_wait3A_197 = tpu.memref_slice %arg8[%dma_wait3A_186, %dma_wait3A_195, %dma_wait3A_196] : memref<6x128x128xf32, #tpu.memory_space<vmem>> -> memref<1x128x128xf32, #tpu.memory_space<vmem>>
    %dma_wait3A_198 = tpu.memref_squeeze %dma_wait3A_197 : memref<1x128x128xf32, #tpu.memory_space<vmem>> -> memref<128x128xf32, #tpu.memory_space<vmem>>
    tpu.wait_dma2 semaphore(%arg16 : memref<!tpu.dma_semaphore, #tpu.memory_space<semaphore_mem>>) src(%dma_wait3A_198 : memref<128x128xf32, #tpu.memory_space<vmem>>) dst(%dma_wait3A_194 : memref<128x128xf32, #tpu.memory_space<hbm>>)
    %dma_start3A_199 = arith.constant 1 : i32
    %dma_start3A_200 = arith.constant 0 : i32
    %dma_start3A_201 = arith.constant 0 : i32
    %dma_start3A_202 = tpu.memref_slice %arg8[%dma_start3A_199, %dma_start3A_200, %dma_start3A_201] : memref<6x128x128xf32, #tpu.memory_space<vmem>> -> memref<1x128x128xf32, #tpu.memory_space<vmem>>
    %dma_start3A_203 = tpu.memref_squeeze %dma_start3A_202 : memref<1x128x128xf32, #tpu.memory_space<vmem>> -> memref<128x128xf32, #tpu.memory_space<vmem>>
    %dma_start3A_204 = arith.constant 896 : i32
    %dma_start3A_205 = tpu.memref_slice %arg7[%dma_start3A_204] : memref<3328xi32, #tpu.memory_space<vmem>> -> memref<128xi32, #tpu.memory_space<vmem>>
    %dma_start3A_206 = arith.constant 0 : i32
    %dma_start3A_207 = arith.constant 0 : i32
    %dma_start3A_208 = tpu.memref_slice %arg5[%dma_start3A_206, %dma_start3A_207] : memref<2600x128xf32, #tpu.memory_space<vmem_shared>> -> memref<2600x128xf32, #tpu.memory_space<vmem_shared>>
    tpu.enqueue_indirect_dma source(%dma_start3A_208 : memref<2600x128xf32, #tpu.memory_space<vmem_shared>>) target(%dma_start3A_203 : memref<128x128xf32, #tpu.memory_space<vmem>>) offsets(%dma_start3A_205 : memref<128xi32, #tpu.memory_space<vmem>>) semaphore(%arg10 : memref<!tpu.dma_semaphore, #tpu.memory_space<semaphore_mem>>)
    %dma_wait3A_209 = arith.constant 4 : i32
    %dma_wait3A_210 = arith.constant 0 : i32
    %dma_wait3A_211 = arith.constant 0 : i32
    %dma_wait3A_212 = tpu.memref_slice %arg8[%dma_wait3A_209, %dma_wait3A_210, %dma_wait3A_211] : memref<6x128x128xf32, #tpu.memory_space<vmem>> -> memref<1x128x128xf32, #tpu.memory_space<vmem>>
    %dma_wait3A_213 = tpu.memref_squeeze %dma_wait3A_212 : memref<1x128x128xf32, #tpu.memory_space<vmem>> -> memref<128x128xf32, #tpu.memory_space<vmem>>
    %dma_wait3A_214 = arith.constant 512 : i32
    %dma_wait3A_215 = tpu.memref_slice %arg7[%dma_wait3A_214] : memref<3328xi32, #tpu.memory_space<vmem>> -> memref<128xi32, #tpu.memory_space<vmem>>
    %dma_wait3A_216 = arith.constant 0 : i32
    %dma_wait3A_217 = arith.constant 0 : i32
    %dma_wait3A_218 = tpu.memref_slice %arg5[%dma_wait3A_216, %dma_wait3A_217] : memref<2600x128xf32, #tpu.memory_space<vmem_shared>> -> memref<2600x128xf32, #tpu.memory_space<vmem_shared>>
    tpu.wait_indirect_dma semaphore(%arg13 : memref<!tpu.dma_semaphore, #tpu.memory_space<semaphore_mem>>) src(%dma_wait3A_218 : memref<2600x128xf32, #tpu.memory_space<vmem_shared>>) dst(%dma_wait3A_213 : memref<128x128xf32, #tpu.memory_space<vmem>>)
    %dma_start3A_219 = arith.constant 4 : i32
    %dma_start3A_220 = arith.constant 0 : i32
    %dma_start3A_221 = arith.constant 0 : i32
    %dma_start3A_222 = tpu.memref_slice %arg8[%dma_start3A_219, %dma_start3A_220, %dma_start3A_221] : memref<6x128x128xf32, #tpu.memory_space<vmem>> -> memref<1x128x128xf32, #tpu.memory_space<vmem>>
    %dma_start3A_223 = tpu.memref_squeeze %dma_start3A_222 : memref<1x128x128xf32, #tpu.memory_space<vmem>> -> memref<128x128xf32, #tpu.memory_space<vmem>>
    %dma_start3A_224 = arith.constant 512 : i32
    %dma_start3A_225 = tpu.memref_slice %arg4[%mul3A_2, %dma_start3A_224] : memref<4096x3328xf32, #tpu.memory_space<hbm>> -> memref<128x128xf32, #tpu.memory_space<hbm>>
    %dma_start3A_226 = arith.constant 512 : i32
    %dma_start3A_227 = tpu.memref_slice %arg4[%mul3A_2, %dma_start3A_226] : memref<4096x3328xf32, #tpu.memory_space<hbm>> -> memref<128x128xf32, #tpu.memory_space<hbm>>
    %dma_start3A_228 = arith.constant 0 : i32
    %dma_start3A_229 = arith.constant 0 : i32
    %dma_start3A_230 = tpu.memref_slice %arg8[%dma_start3A_219, %dma_start3A_228, %dma_start3A_229] : memref<6x128x128xf32, #tpu.memory_space<vmem>> -> memref<1x128x128xf32, #tpu.memory_space<vmem>>
    %dma_start3A_231 = tpu.memref_squeeze %dma_start3A_230 : memref<1x128x128xf32, #tpu.memory_space<vmem>> -> memref<128x128xf32, #tpu.memory_space<vmem>>
    tpu.enqueue_dma source(%dma_start3A_231 : memref<128x128xf32, #tpu.memory_space<vmem>>) target(%dma_start3A_227 : memref<128x128xf32, #tpu.memory_space<hbm>>) target_semaphore(%arg19 : memref<!tpu.dma_semaphore, #tpu.memory_space<semaphore_mem>>)
    %dma_wait3A_232 = arith.constant 2 : i32
    %dma_wait3A_233 = arith.constant 0 : i32
    %dma_wait3A_234 = arith.constant 0 : i32
    %dma_wait3A_235 = tpu.memref_slice %arg8[%dma_wait3A_232, %dma_wait3A_233, %dma_wait3A_234] : memref<6x128x128xf32, #tpu.memory_space<vmem>> -> memref<1x128x128xf32, #tpu.memory_space<vmem>>
    %dma_wait3A_236 = tpu.memref_squeeze %dma_wait3A_235 : memref<1x128x128xf32, #tpu.memory_space<vmem>> -> memref<128x128xf32, #tpu.memory_space<vmem>>
    %dma_wait3A_237 = arith.constant 256 : i32
    %dma_wait3A_238 = tpu.memref_slice %arg4[%mul3A_2, %dma_wait3A_237] : memref<4096x3328xf32, #tpu.memory_space<hbm>> -> memref<128x128xf32, #tpu.memory_space<hbm>>
    %dma_wait3A_239 = arith.constant 256 : i32
    %dma_wait3A_240 = tpu.memref_slice %arg4[%mul3A_2, %dma_wait3A_239] : memref<4096x3328xf32, #tpu.memory_space<hbm>> -> memref<128x128xf32, #tpu.memory_space<hbm>>
    %dma_wait3A_241 = arith.constant 0 : i32
    %dma_wait3A_242 = arith.constant 0 : i32
    %dma_wait3A_243 = tpu.memref_slice %arg8[%dma_wait3A_232, %dma_wait3A_241, %dma_wait3A_242] : memref<6x128x128xf32, #tpu.memory_space<vmem>> -> memref<1x128x128xf32, #tpu.memory_space<vmem>>
    %dma_wait3A_244 = tpu.memref_squeeze %dma_wait3A_243 : memref<1x128x128xf32, #tpu.memory_space<vmem>> -> memref<128x128xf32, #tpu.memory_space<vmem>>
    tpu.wait_dma2 semaphore(%arg17 : memref<!tpu.dma_semaphore, #tpu.memory_space<semaphore_mem>>) src(%dma_wait3A_244 : memref<128x128xf32, #tpu.memory_space<vmem>>) dst(%dma_wait3A_240 : memref<128x128xf32, #tpu.memory_space<hbm>>)
    %dma_start3A_245 = arith.constant 2 : i32
    %dma_start3A_246 = arith.constant 0 : i32
    %dma_start3A_247 = arith.constant 0 : i32
    %dma_start3A_248 = tpu.memref_slice %arg8[%dma_start3A_245, %dma_start3A_246, %dma_start3A_247] : memref<6x128x128xf32, #tpu.memory_space<vmem>> -> memref<1x128x128xf32, #tpu.memory_space<vmem>>
    %dma_start3A_249 = tpu.memref_squeeze %dma_start3A_248 : memref<1x128x128xf32, #tpu.memory_space<vmem>> -> memref<128x128xf32, #tpu.memory_space<vmem>>
    %dma_start3A_250 = arith.constant 1024 : i32
    %dma_start3A_251 = tpu.memref_slice %arg7[%dma_start3A_250] : memref<3328xi32, #tpu.memory_space<vmem>> -> memref<128xi32, #tpu.memory_space<vmem>>
    %dma_start3A_252 = arith.constant 0 : i32
    %dma_start3A_253 = arith.constant 0 : i32
    %dma_start3A_254 = tpu.memref_slice %arg5[%dma_start3A_252, %dma_start3A_253] : memref<2600x128xf32, #tpu.memory_space<vmem_shared>> -> memref<2600x128xf32, #tpu.memory_space<vmem_shared>>
    tpu.enqueue_indirect_dma source(%dma_start3A_254 : memref<2600x128xf32, #tpu.memory_space<vmem_shared>>) target(%dma_start3A_249 : memref<128x128xf32, #tpu.memory_space<vmem>>) offsets(%dma_start3A_251 : memref<128xi32, #tpu.memory_space<vmem>>) semaphore(%arg11 : memref<!tpu.dma_semaphore, #tpu.memory_space<semaphore_mem>>)
    %dma_wait3A_255 = arith.constant 5 : i32
    %dma_wait3A_256 = arith.constant 0 : i32
    %dma_wait3A_257 = arith.constant 0 : i32
    %dma_wait3A_258 = tpu.memref_slice %arg8[%dma_wait3A_255, %dma_wait3A_256, %dma_wait3A_257] : memref<6x128x128xf32, #tpu.memory_space<vmem>> -> memref<1x128x128xf32, #tpu.memory_space<vmem>>
    %dma_wait3A_259 = tpu.memref_squeeze %dma_wait3A_258 : memref<1x128x128xf32, #tpu.memory_space<vmem>> -> memref<128x128xf32, #tpu.memory_space<vmem>>
    %dma_wait3A_260 = arith.constant 640 : i32
    %dma_wait3A_261 = tpu.memref_slice %arg7[%dma_wait3A_260] : memref<3328xi32, #tpu.memory_space<vmem>> -> memref<128xi32, #tpu.memory_space<vmem>>
    %dma_wait3A_262 = arith.constant 0 : i32
    %dma_wait3A_263 = arith.constant 0 : i32
    %dma_wait3A_264 = tpu.memref_slice %arg5[%dma_wait3A_262, %dma_wait3A_263] : memref<2600x128xf32, #tpu.memory_space<vmem_shared>> -> memref<2600x128xf32, #tpu.memory_space<vmem_shared>>
    tpu.wait_indirect_dma semaphore(%arg14 : memref<!tpu.dma_semaphore, #tpu.memory_space<semaphore_mem>>) src(%dma_wait3A_264 : memref<2600x128xf32, #tpu.memory_space<vmem_shared>>) dst(%dma_wait3A_259 : memref<128x128xf32, #tpu.memory_space<vmem>>)
    %dma_start3A_265 = arith.constant 5 : i32
    %dma_start3A_266 = arith.constant 0 : i32
    %dma_start3A_267 = arith.constant 0 : i32
    %dma_start3A_268 = tpu.memref_slice %arg8[%dma_start3A_265, %dma_start3A_266, %dma_start3A_267] : memref<6x128x128xf32, #tpu.memory_space<vmem>> -> memref<1x128x128xf32, #tpu.memory_space<vmem>>
    %dma_start3A_269 = tpu.memref_squeeze %dma_start3A_268 : memref<1x128x128xf32, #tpu.memory_space<vmem>> -> memref<128x128xf32, #tpu.memory_space<vmem>>
    %dma_start3A_270 = arith.constant 640 : i32
    %dma_start3A_271 = tpu.memref_slice %arg4[%mul3A_2, %dma_start3A_270] : memref<4096x3328xf32, #tpu.memory_space<hbm>> -> memref<128x128xf32, #tpu.memory_space<hbm>>
    %dma_start3A_272 = arith.constant 640 : i32
    %dma_start3A_273 = tpu.memref_slice %arg4[%mul3A_2, %dma_start3A_272] : memref<4096x3328xf32, #tpu.memory_space<hbm>> -> memref<128x128xf32, #tpu.memory_space<hbm>>
    %dma_start3A_274 = arith.constant 0 : i32
    %dma_start3A_275 = arith.constant 0 : i32
    %dma_start3A_276 = tpu.memref_slice %arg8[%dma_start3A_265, %dma_start3A_274, %dma_start3A_275] : memref<6x128x128xf32, #tpu.memory_space<vmem>> -> memref<1x128x128xf32, #tpu.memory_space<vmem>>
    %dma_start3A_277 = tpu.memref_squeeze %dma_start3A_276 : memref<1x128x128xf32, #tpu.memory_space<vmem>> -> memref<128x128xf32, #tpu.memory_space<vmem>>
    tpu.enqueue_dma source(%dma_start3A_277 : memref<128x128xf32, #tpu.memory_space<vmem>>) target(%dma_start3A_273 : memref<128x128xf32, #tpu.memory_space<hbm>>) target_semaphore(%arg20 : memref<!tpu.dma_semaphore, #tpu.memory_space<semaphore_mem>>)
    %dma_wait3A_278 = arith.constant 3 : i32
    %dma_wait3A_279 = arith.constant 0 : i32
    %dma_wait3A_280 = arith.constant 0 : i32
    %dma_wait3A_281 = tpu.memref_slice %arg8[%dma_wait3A_278, %dma_wait3A_279, %dma_wait3A_280] : memref<6x128x128xf32, #tpu.memory_space<vmem>> -> memref<1x128x128xf32, #tpu.memory_space<vmem>>
    %dma_wait3A_282 = tpu.memref_squeeze %dma_wait3A_281 : memref<1x128x128xf32, #tpu.memory_space<vmem>> -> memref<128x128xf32, #tpu.memory_space<vmem>>
    %dma_wait3A_283 = arith.constant 384 : i32
    %dma_wait3A_284 = tpu.memref_slice %arg4[%mul3A_2, %dma_wait3A_283] : memref<4096x3328xf32, #tpu.memory_space<hbm>> -> memref<128x128xf32, #tpu.memory_space<hbm>>
    %dma_wait3A_285 = arith.constant 384 : i32
    %dma_wait3A_286 = tpu.memref_slice %arg4[%mul3A_2, %dma_wait3A_285] : memref<4096x3328xf32, #tpu.memory_space<hbm>> -> memref<128x128xf32, #tpu.memory_space<hbm>>
    %dma_wait3A_287 = arith.constant 0 : i32
    %dma_wait3A_288 = arith.constant 0 : i32
    %dma_wait3A_289 = tpu.memref_slice %arg8[%dma_wait3A_278, %dma_wait3A_287, %dma_wait3A_288] : memref<6x128x128xf32, #tpu.memory_space<vmem>> -> memref<1x128x128xf32, #tpu.memory_space<vmem>>
    %dma_wait3A_290 = tpu.memref_squeeze %dma_wait3A_289 : memref<1x128x128xf32, #tpu.memory_space<vmem>> -> memref<128x128xf32, #tpu.memory_space<vmem>>
    tpu.wait_dma2 semaphore(%arg18 : memref<!tpu.dma_semaphore, #tpu.memory_space<semaphore_mem>>) src(%dma_wait3A_290 : memref<128x128xf32, #tpu.memory_space<vmem>>) dst(%dma_wait3A_286 : memref<128x128xf32, #tpu.memory_space<hbm>>)
    %dma_start3A_291 = arith.constant 3 : i32
    %dma_start3A_292 = arith.constant 0 : i32
    %dma_start3A_293 = arith.constant 0 : i32
    %dma_start3A_294 = tpu.memref_slice %arg8[%dma_start3A_291, %dma_start3A_292, %dma_start3A_293] : memref<6x128x128xf32, #tpu.memory_space<vmem>> -> memref<1x128x128xf32, #tpu.memory_space<vmem>>
    %dma_start3A_295 = tpu.memref_squeeze %dma_start3A_294 : memref<1x128x128xf32, #tpu.memory_space<vmem>> -> memref<128x128xf32, #tpu.memory_space<vmem>>
    %dma_start3A_296 = arith.constant 1152 : i32
    %dma_start3A_297 = tpu.memref_slice %arg7[%dma_start3A_296] : memref<3328xi32, #tpu.memory_space<vmem>> -> memref<128xi32, #tpu.memory_space<vmem>>
    %dma_start3A_298 = arith.constant 0 : i32
    %dma_start3A_299 = arith.constant 0 : i32
    %dma_start3A_300 = tpu.memref_slice %arg5[%dma_start3A_298, %dma_start3A_299] : memref<2600x128xf32, #tpu.memory_space<vmem_shared>> -> memref<2600x128xf32, #tpu.memory_space<vmem_shared>>
    tpu.enqueue_indirect_dma source(%dma_start3A_300 : memref<2600x128xf32, #tpu.memory_space<vmem_shared>>) target(%dma_start3A_295 : memref<128x128xf32, #tpu.memory_space<vmem>>) offsets(%dma_start3A_297 : memref<128xi32, #tpu.memory_space<vmem>>) semaphore(%arg12 : memref<!tpu.dma_semaphore, #tpu.memory_space<semaphore_mem>>)
    %dma_wait3A_301 = arith.constant 0 : i32
    %dma_wait3A_302 = arith.constant 0 : i32
    %dma_wait3A_303 = arith.constant 0 : i32
    %dma_wait3A_304 = tpu.memref_slice %arg8[%dma_wait3A_301, %dma_wait3A_302, %dma_wait3A_303] : memref<6x128x128xf32, #tpu.memory_space<vmem>> -> memref<1x128x128xf32, #tpu.memory_space<vmem>>
    %dma_wait3A_305 = tpu.memref_squeeze %dma_wait3A_304 : memref<1x128x128xf32, #tpu.memory_space<vmem>> -> memref<128x128xf32, #tpu.memory_space<vmem>>
    %dma_wait3A_306 = arith.constant 768 : i32
    %dma_wait3A_307 = tpu.memref_slice %arg7[%dma_wait3A_306] : memref<3328xi32, #tpu.memory_space<vmem>> -> memref<128xi32, #tpu.memory_space<vmem>>
    %dma_wait3A_308 = arith.constant 0 : i32
    %dma_wait3A_309 = arith.constant 0 : i32
    %dma_wait3A_310 = tpu.memref_slice %arg5[%dma_wait3A_308, %dma_wait3A_309] : memref<2600x128xf32, #tpu.memory_space<vmem_shared>> -> memref<2600x128xf32, #tpu.memory_space<vmem_shared>>
    tpu.wait_indirect_dma semaphore(%arg9 : memref<!tpu.dma_semaphore, #tpu.memory_space<semaphore_mem>>) src(%dma_wait3A_310 : memref<2600x128xf32, #tpu.memory_space<vmem_shared>>) dst(%dma_wait3A_305 : memref<128x128xf32, #tpu.memory_space<vmem>>)
    %dma_start3A_311 = arith.constant 0 : i32
    %dma_start3A_312 = arith.constant 0 : i32
    %dma_start3A_313 = arith.constant 0 : i32
    %dma_start3A_314 = tpu.memref_slice %arg8[%dma_start3A_311, %dma_start3A_312, %dma_start3A_313] : memref<6x128x128xf32, #tpu.memory_space<vmem>> -> memref<1x128x128xf32, #tpu.memory_space<vmem>>
    %dma_start3A_315 = tpu.memref_squeeze %dma_start3A_314 : memref<1x128x128xf32, #tpu.memory_space<vmem>> -> memref<128x128xf32, #tpu.memory_space<vmem>>
    %dma_start3A_316 = arith.constant 768 : i32
    %dma_start3A_317 = tpu.memref_slice %arg4[%mul3A_2, %dma_start3A_316] : memref<4096x3328xf32, #tpu.memory_space<hbm>> -> memref<128x128xf32, #tpu.memory_space<hbm>>
    %dma_start3A_318 = arith.constant 768 : i32
    %dma_start3A_319 = tpu.memref_slice %arg4[%mul3A_2, %dma_start3A_318] : memref<4096x3328xf32, #tpu.memory_space<hbm>> -> memref<128x128xf32, #tpu.memory_space<hbm>>
    %dma_start3A_320 = arith.constant 0 : i32
    %dma_start3A_321 = arith.constant 0 : i32
    %dma_start3A_322 = tpu.memref_slice %arg8[%dma_start3A_311, %dma_start3A_320, %dma_start3A_321] : memref<6x128x128xf32, #tpu.memory_space<vmem>> -> memref<1x128x128xf32, #tpu.memory_space<vmem>>
    %dma_start3A_323 = tpu.memref_squeeze %dma_start3A_322 : memref<1x128x128xf32, #tpu.memory_space<vmem>> -> memref<128x128xf32, #tpu.memory_space<vmem>>
    tpu.enqueue_dma source(%dma_start3A_323 : memref<128x128xf32, #tpu.memory_space<vmem>>) target(%dma_start3A_319 : memref<128x128xf32, #tpu.memory_space<hbm>>) target_semaphore(%arg15 : memref<!tpu.dma_semaphore, #tpu.memory_space<semaphore_mem>>)
    %dma_wait3A_324 = arith.constant 4 : i32
    %dma_wait3A_325 = arith.constant 0 : i32
    %dma_wait3A_326 = arith.constant 0 : i32
    %dma_wait3A_327 = tpu.memref_slice %arg8[%dma_wait3A_324, %dma_wait3A_325, %dma_wait3A_326] : memref<6x128x128xf32, #tpu.memory_space<vmem>> -> memref<1x128x128xf32, #tpu.memory_space<vmem>>
    %dma_wait3A_328 = tpu.memref_squeeze %dma_wait3A_327 : memref<1x128x128xf32, #tpu.memory_space<vmem>> -> memref<128x128xf32, #tpu.memory_space<vmem>>
    %dma_wait3A_329 = arith.constant 512 : i32
    %dma_wait3A_330 = tpu.memref_slice %arg4[%mul3A_2, %dma_wait3A_329] : memref<4096x3328xf32, #tpu.memory_space<hbm>> -> memref<128x128xf32, #tpu.memory_space<hbm>>
    %dma_wait3A_331 = arith.constant 512 : i32
    %dma_wait3A_332 = tpu.memref_slice %arg4[%mul3A_2, %dma_wait3A_331] : memref<4096x3328xf32, #tpu.memory_space<hbm>> -> memref<128x128xf32, #tpu.memory_space<hbm>>
    %dma_wait3A_333 = arith.constant 0 : i32
    %dma_wait3A_334 = arith.constant 0 : i32
    %dma_wait3A_335 = tpu.memref_slice %arg8[%dma_wait3A_324, %dma_wait3A_333, %dma_wait3A_334] : memref<6x128x128xf32, #tpu.memory_space<vmem>> -> memref<1x128x128xf32, #tpu.memory_space<vmem>>
    %dma_wait3A_336 = tpu.memref_squeeze %dma_wait3A_335 : memref<1x128x128xf32, #tpu.memory_space<vmem>> -> memref<128x128xf32, #tpu.memory_space<vmem>>
    tpu.wait_dma2 semaphore(%arg19 : memref<!tpu.dma_semaphore, #tpu.memory_space<semaphore_mem>>) src(%dma_wait3A_336 : memref<128x128xf32, #tpu.memory_space<vmem>>) dst(%dma_wait3A_332 : memref<128x128xf32, #tpu.memory_space<hbm>>)
    %dma_start3A_337 = arith.constant 4 : i32
    %dma_start3A_338 = arith.constant 0 : i32
    %dma_start3A_339 = arith.constant 0 : i32
    %dma_start3A_340 = tpu.memref_slice %arg8[%dma_start3A_337, %dma_start3A_338, %dma_start3A_339] : memref<6x128x128xf32, #tpu.memory_space<vmem>> -> memref<1x128x128xf32, #tpu.memory_space<vmem>>
    %dma_start3A_341 = tpu.memref_squeeze %dma_start3A_340 : memref<1x128x128xf32, #tpu.memory_space<vmem>> -> memref<128x128xf32, #tpu.memory_space<vmem>>
    %dma_start3A_342 = arith.constant 1280 : i32
    %dma_start3A_343 = tpu.memref_slice %arg7[%dma_start3A_342] : memref<3328xi32, #tpu.memory_space<vmem>> -> memref<128xi32, #tpu.memory_space<vmem>>
    %dma_start3A_344 = arith.constant 0 : i32
    %dma_start3A_345 = arith.constant 0 : i32
    %dma_start3A_346 = tpu.memref_slice %arg5[%dma_start3A_344, %dma_start3A_345] : memref<2600x128xf32, #tpu.memory_space<vmem_shared>> -> memref<2600x128xf32, #tpu.memory_space<vmem_shared>>
    tpu.enqueue_indirect_dma source(%dma_start3A_346 : memref<2600x128xf32, #tpu.memory_space<vmem_shared>>) target(%dma_start3A_341 : memref<128x128xf32, #tpu.memory_space<vmem>>) offsets(%dma_start3A_343 : memref<128xi32, #tpu.memory_space<vmem>>) semaphore(%arg13 : memref<!tpu.dma_semaphore, #tpu.memory_space<semaphore_mem>>)
    %dma_wait3A_347 = arith.constant 1 : i32
    %dma_wait3A_348 = arith.constant 0 : i32
    %dma_wait3A_349 = arith.constant 0 : i32
    %dma_wait3A_350 = tpu.memref_slice %arg8[%dma_wait3A_347, %dma_wait3A_348, %dma_wait3A_349] : memref<6x128x128xf32, #tpu.memory_space<vmem>> -> memref<1x128x128xf32, #tpu.memory_space<vmem>>
    %dma_wait3A_351 = tpu.memref_squeeze %dma_wait3A_350 : memref<1x128x128xf32, #tpu.memory_space<vmem>> -> memref<128x128xf32, #tpu.memory_space<vmem>>
    %dma_wait3A_352 = arith.constant 896 : i32
    %dma_wait3A_353 = tpu.memref_slice %arg7[%dma_wait3A_352] : memref<3328xi32, #tpu.memory_space<vmem>> -> memref<128xi32, #tpu.memory_space<vmem>>
    %dma_wait3A_354 = arith.constant 0 : i32
    %dma_wait3A_355 = arith.constant 0 : i32
    %dma_wait3A_356 = tpu.memref_slice %arg5[%dma_wait3A_354, %dma_wait3A_355] : memref<2600x128xf32, #tpu.memory_space<vmem_shared>> -> memref<2600x128xf32, #tpu.memory_space<vmem_shared>>
    tpu.wait_indirect_dma semaphore(%arg10 : memref<!tpu.dma_semaphore, #tpu.memory_space<semaphore_mem>>) src(%dma_wait3A_356 : memref<2600x128xf32, #tpu.memory_space<vmem_shared>>) dst(%dma_wait3A_351 : memref<128x128xf32, #tpu.memory_space<vmem>>)
    %dma_start3A_357 = arith.constant 1 : i32
    %dma_start3A_358 = arith.constant 0 : i32
    %dma_start3A_359 = arith.constant 0 : i32
    %dma_start3A_360 = tpu.memref_slice %arg8[%dma_start3A_357, %dma_start3A_358, %dma_start3A_359] : memref<6x128x128xf32, #tpu.memory_space<vmem>> -> memref<1x128x128xf32, #tpu.memory_space<vmem>>
    %dma_start3A_361 = tpu.memref_squeeze %dma_start3A_360 : memref<1x128x128xf32, #tpu.memory_space<vmem>> -> memref<128x128xf32, #tpu.memory_space<vmem>>
    %dma_start3A_362 = arith.constant 896 : i32
    %dma_start3A_363 = tpu.memref_slice %arg4[%mul3A_2, %dma_start3A_362] : memref<4096x3328xf32, #tpu.memory_space<hbm>> -> memref<128x128xf32, #tpu.memory_space<hbm>>
    %dma_start3A_364 = arith.constant 896 : i32
    %dma_start3A_365 = tpu.memref_slice %arg4[%mul3A_2, %dma_start3A_364] : memref<4096x3328xf32, #tpu.memory_space<hbm>> -> memref<128x128xf32, #tpu.memory_space<hbm>>
    %dma_start3A_366 = arith.constant 0 : i32
    %dma_start3A_367 = arith.constant 0 : i32
    %dma_start3A_368 = tpu.memref_slice %arg8[%dma_start3A_357, %dma_start3A_366, %dma_start3A_367] : memref<6x128x128xf32, #tpu.memory_space<vmem>> -> memref<1x128x128xf32, #tpu.memory_space<vmem>>
    %dma_start3A_369 = tpu.memref_squeeze %dma_start3A_368 : memref<1x128x128xf32, #tpu.memory_space<vmem>> -> memref<128x128xf32, #tpu.memory_space<vmem>>
    tpu.enqueue_dma source(%dma_start3A_369 : memref<128x128xf32, #tpu.memory_space<vmem>>) target(%dma_start3A_365 : memref<128x128xf32, #tpu.memory_space<hbm>>) target_semaphore(%arg16 : memref<!tpu.dma_semaphore, #tpu.memory_space<semaphore_mem>>)
    %dma_wait3A_370 = arith.constant 5 : i32
    %dma_wait3A_371 = arith.constant 0 : i32
    %dma_wait3A_372 = arith.constant 0 : i32
    %dma_wait3A_373 = tpu.memref_slice %arg8[%dma_wait3A_370, %dma_wait3A_371, %dma_wait3A_372] : memref<6x128x128xf32, #tpu.memory_space<vmem>> -> memref<1x128x128xf32, #tpu.memory_space<vmem>>
    %dma_wait3A_374 = tpu.memref_squeeze %dma_wait3A_373 : memref<1x128x128xf32, #tpu.memory_space<vmem>> -> memref<128x128xf32, #tpu.memory_space<vmem>>
    %dma_wait3A_375 = arith.constant 640 : i32
    %dma_wait3A_376 = tpu.memref_slice %arg4[%mul3A_2, %dma_wait3A_375] : memref<4096x3328xf32, #tpu.memory_space<hbm>> -> memref<128x128xf32, #tpu.memory_space<hbm>>
    %dma_wait3A_377 = arith.constant 640 : i32
    %dma_wait3A_378 = tpu.memref_slice %arg4[%mul3A_2, %dma_wait3A_377] : memref<4096x3328xf32, #tpu.memory_space<hbm>> -> memref<128x128xf32, #tpu.memory_space<hbm>>
    %dma_wait3A_379 = arith.constant 0 : i32
    %dma_wait3A_380 = arith.constant 0 : i32
    %dma_wait3A_381 = tpu.memref_slice %arg8[%dma_wait3A_370, %dma_wait3A_379, %dma_wait3A_380] : memref<6x128x128xf32, #tpu.memory_space<vmem>> -> memref<1x128x128xf32, #tpu.memory_space<vmem>>
    %dma_wait3A_382 = tpu.memref_squeeze %dma_wait3A_381 : memref<1x128x128xf32, #tpu.memory_space<vmem>> -> memref<128x128xf32, #tpu.memory_space<vmem>>
    tpu.wait_dma2 semaphore(%arg20 : memref<!tpu.dma_semaphore, #tpu.memory_space<semaphore_mem>>) src(%dma_wait3A_382 : memref<128x128xf32, #tpu.memory_space<vmem>>) dst(%dma_wait3A_378 : memref<128x128xf32, #tpu.memory_space<hbm>>)
    %dma_start3A_383 = arith.constant 5 : i32
    %dma_start3A_384 = arith.constant 0 : i32
    %dma_start3A_385 = arith.constant 0 : i32
    %dma_start3A_386 = tpu.memref_slice %arg8[%dma_start3A_383, %dma_start3A_384, %dma_start3A_385] : memref<6x128x128xf32, #tpu.memory_space<vmem>> -> memref<1x128x128xf32, #tpu.memory_space<vmem>>
    %dma_start3A_387 = tpu.memref_squeeze %dma_start3A_386 : memref<1x128x128xf32, #tpu.memory_space<vmem>> -> memref<128x128xf32, #tpu.memory_space<vmem>>
    %dma_start3A_388 = arith.constant 1408 : i32
    %dma_start3A_389 = tpu.memref_slice %arg7[%dma_start3A_388] : memref<3328xi32, #tpu.memory_space<vmem>> -> memref<128xi32, #tpu.memory_space<vmem>>
    %dma_start3A_390 = arith.constant 0 : i32
    %dma_start3A_391 = arith.constant 0 : i32
    %dma_start3A_392 = tpu.memref_slice %arg5[%dma_start3A_390, %dma_start3A_391] : memref<2600x128xf32, #tpu.memory_space<vmem_shared>> -> memref<2600x128xf32, #tpu.memory_space<vmem_shared>>
    tpu.enqueue_indirect_dma source(%dma_start3A_392 : memref<2600x128xf32, #tpu.memory_space<vmem_shared>>) target(%dma_start3A_387 : memref<128x128xf32, #tpu.memory_space<vmem>>) offsets(%dma_start3A_389 : memref<128xi32, #tpu.memory_space<vmem>>) semaphore(%arg14 : memref<!tpu.dma_semaphore, #tpu.memory_space<semaphore_mem>>)
    %dma_wait3A_393 = arith.constant 2 : i32
    %dma_wait3A_394 = arith.constant 0 : i32
    %dma_wait3A_395 = arith.constant 0 : i32
    %dma_wait3A_396 = tpu.memref_slice %arg8[%dma_wait3A_393, %dma_wait3A_394, %dma_wait3A_395] : memref<6x128x128xf32, #tpu.memory_space<vmem>> -> memref<1x128x128xf32, #tpu.memory_space<vmem>>
    %dma_wait3A_397 = tpu.memref_squeeze %dma_wait3A_396 : memref<1x128x128xf32, #tpu.memory_space<vmem>> -> memref<128x128xf32, #tpu.memory_space<vmem>>
    %dma_wait3A_398 = arith.constant 1024 : i32
    %dma_wait3A_399 = tpu.memref_slice %arg7[%dma_wait3A_398] : memref<3328xi32, #tpu.memory_space<vmem>> -> memref<128xi32, #tpu.memory_space<vmem>>
    %dma_wait3A_400 = arith.constant 0 : i32
    %dma_wait3A_401 = arith.constant 0 : i32
    %dma_wait3A_402 = tpu.memref_slice %arg5[%dma_wait3A_400, %dma_wait3A_401] : memref<2600x128xf32, #tpu.memory_space<vmem_shared>> -> memref<2600x128xf32, #tpu.memory_space<vmem_shared>>
    tpu.wait_indirect_dma semaphore(%arg11 : memref<!tpu.dma_semaphore, #tpu.memory_space<semaphore_mem>>) src(%dma_wait3A_402 : memref<2600x128xf32, #tpu.memory_space<vmem_shared>>) dst(%dma_wait3A_397 : memref<128x128xf32, #tpu.memory_space<vmem>>)
    %dma_start3A_403 = arith.constant 2 : i32
    %dma_start3A_404 = arith.constant 0 : i32
    %dma_start3A_405 = arith.constant 0 : i32
    %dma_start3A_406 = tpu.memref_slice %arg8[%dma_start3A_403, %dma_start3A_404, %dma_start3A_405] : memref<6x128x128xf32, #tpu.memory_space<vmem>> -> memref<1x128x128xf32, #tpu.memory_space<vmem>>
    %dma_start3A_407 = tpu.memref_squeeze %dma_start3A_406 : memref<1x128x128xf32, #tpu.memory_space<vmem>> -> memref<128x128xf32, #tpu.memory_space<vmem>>
    %dma_start3A_408 = arith.constant 1024 : i32
    %dma_start3A_409 = tpu.memref_slice %arg4[%mul3A_2, %dma_start3A_408] : memref<4096x3328xf32, #tpu.memory_space<hbm>> -> memref<128x128xf32, #tpu.memory_space<hbm>>
    %dma_start3A_410 = arith.constant 1024 : i32
    %dma_start3A_411 = tpu.memref_slice %arg4[%mul3A_2, %dma_start3A_410] : memref<4096x3328xf32, #tpu.memory_space<hbm>> -> memref<128x128xf32, #tpu.memory_space<hbm>>
    %dma_start3A_412 = arith.constant 0 : i32
    %dma_start3A_413 = arith.constant 0 : i32
    %dma_start3A_414 = tpu.memref_slice %arg8[%dma_start3A_403, %dma_start3A_412, %dma_start3A_413] : memref<6x128x128xf32, #tpu.memory_space<vmem>> -> memref<1x128x128xf32, #tpu.memory_space<vmem>>
    %dma_start3A_415 = tpu.memref_squeeze %dma_start3A_414 : memref<1x128x128xf32, #tpu.memory_space<vmem>> -> memref<128x128xf32, #tpu.memory_space<vmem>>
    tpu.enqueue_dma source(%dma_start3A_415 : memref<128x128xf32, #tpu.memory_space<vmem>>) target(%dma_start3A_411 : memref<128x128xf32, #tpu.memory_space<hbm>>) target_semaphore(%arg17 : memref<!tpu.dma_semaphore, #tpu.memory_space<semaphore_mem>>)
    %dma_wait3A_416 = arith.constant 0 : i32
    %dma_wait3A_417 = arith.constant 0 : i32
    %dma_wait3A_418 = arith.constant 0 : i32
    %dma_wait3A_419 = tpu.memref_slice %arg8[%dma_wait3A_416, %dma_wait3A_417, %dma_wait3A_418] : memref<6x128x128xf32, #tpu.memory_space<vmem>> -> memref<1x128x128xf32, #tpu.memory_space<vmem>>
    %dma_wait3A_420 = tpu.memref_squeeze %dma_wait3A_419 : memref<1x128x128xf32, #tpu.memory_space<vmem>> -> memref<128x128xf32, #tpu.memory_space<vmem>>
    %dma_wait3A_421 = arith.constant 768 : i32
    %dma_wait3A_422 = tpu.memref_slice %arg4[%mul3A_2, %dma_wait3A_421] : memref<4096x3328xf32, #tpu.memory_space<hbm>> -> memref<128x128xf32, #tpu.memory_space<hbm>>
    %dma_wait3A_423 = arith.constant 768 : i32
    %dma_wait3A_424 = tpu.memref_slice %arg4[%mul3A_2, %dma_wait3A_423] : memref<4096x3328xf32, #tpu.memory_space<hbm>> -> memref<128x128xf32, #tpu.memory_space<hbm>>
    %dma_wait3A_425 = arith.constant 0 : i32
    %dma_wait3A_426 = arith.constant 0 : i32
    %dma_wait3A_427 = tpu.memref_slice %arg8[%dma_wait3A_416, %dma_wait3A_425, %dma_wait3A_426] : memref<6x128x128xf32, #tpu.memory_space<vmem>> -> memref<1x128x128xf32, #tpu.memory_space<vmem>>
    %dma_wait3A_428 = tpu.memref_squeeze %dma_wait3A_427 : memref<1x128x128xf32, #tpu.memory_space<vmem>> -> memref<128x128xf32, #tpu.memory_space<vmem>>
    tpu.wait_dma2 semaphore(%arg15 : memref<!tpu.dma_semaphore, #tpu.memory_space<semaphore_mem>>) src(%dma_wait3A_428 : memref<128x128xf32, #tpu.memory_space<vmem>>) dst(%dma_wait3A_424 : memref<128x128xf32, #tpu.memory_space<hbm>>)
    %dma_start3A_429 = arith.constant 0 : i32
    %dma_start3A_430 = arith.constant 0 : i32
    %dma_start3A_431 = arith.constant 0 : i32
    %dma_start3A_432 = tpu.memref_slice %arg8[%dma_start3A_429, %dma_start3A_430, %dma_start3A_431] : memref<6x128x128xf32, #tpu.memory_space<vmem>> -> memref<1x128x128xf32, #tpu.memory_space<vmem>>
    %dma_start3A_433 = tpu.memref_squeeze %dma_start3A_432 : memref<1x128x128xf32, #tpu.memory_space<vmem>> -> memref<128x128xf32, #tpu.memory_space<vmem>>
    %dma_start3A_434 = arith.constant 1536 : i32
    %dma_start3A_435 = tpu.memref_slice %arg7[%dma_start3A_434] : memref<3328xi32, #tpu.memory_space<vmem>> -> memref<128xi32, #tpu.memory_space<vmem>>
    %dma_start3A_436 = arith.constant 0 : i32
    %dma_start3A_437 = arith.constant 0 : i32
    %dma_start3A_438 = tpu.memref_slice %arg5[%dma_start3A_436, %dma_start3A_437] : memref<2600x128xf32, #tpu.memory_space<vmem_shared>> -> memref<2600x128xf32, #tpu.memory_space<vmem_shared>>
    tpu.enqueue_indirect_dma source(%dma_start3A_438 : memref<2600x128xf32, #tpu.memory_space<vmem_shared>>) target(%dma_start3A_433 : memref<128x128xf32, #tpu.memory_space<vmem>>) offsets(%dma_start3A_435 : memref<128xi32, #tpu.memory_space<vmem>>) semaphore(%arg9 : memref<!tpu.dma_semaphore, #tpu.memory_space<semaphore_mem>>)
    %dma_wait3A_439 = arith.constant 3 : i32
    %dma_wait3A_440 = arith.constant 0 : i32
    %dma_wait3A_441 = arith.constant 0 : i32
    %dma_wait3A_442 = tpu.memref_slice %arg8[%dma_wait3A_439, %dma_wait3A_440, %dma_wait3A_441] : memref<6x128x128xf32, #tpu.memory_space<vmem>> -> memref<1x128x128xf32, #tpu.memory_space<vmem>>
    %dma_wait3A_443 = tpu.memref_squeeze %dma_wait3A_442 : memref<1x128x128xf32, #tpu.memory_space<vmem>> -> memref<128x128xf32, #tpu.memory_space<vmem>>
    %dma_wait3A_444 = arith.constant 1152 : i32
    %dma_wait3A_445 = tpu.memref_slice %arg7[%dma_wait3A_444] : memref<3328xi32, #tpu.memory_space<vmem>> -> memref<128xi32, #tpu.memory_space<vmem>>
    %dma_wait3A_446 = arith.constant 0 : i32
    %dma_wait3A_447 = arith.constant 0 : i32
    %dma_wait3A_448 = tpu.memref_slice %arg5[%dma_wait3A_446, %dma_wait3A_447] : memref<2600x128xf32, #tpu.memory_space<vmem_shared>> -> memref<2600x128xf32, #tpu.memory_space<vmem_shared>>
    tpu.wait_indirect_dma semaphore(%arg12 : memref<!tpu.dma_semaphore, #tpu.memory_space<semaphore_mem>>) src(%dma_wait3A_448 : memref<2600x128xf32, #tpu.memory_space<vmem_shared>>) dst(%dma_wait3A_443 : memref<128x128xf32, #tpu.memory_space<vmem>>)
    %dma_start3A_449 = arith.constant 3 : i32
    %dma_start3A_450 = arith.constant 0 : i32
    %dma_start3A_451 = arith.constant 0 : i32
    %dma_start3A_452 = tpu.memref_slice %arg8[%dma_start3A_449, %dma_start3A_450, %dma_start3A_451] : memref<6x128x128xf32, #tpu.memory_space<vmem>> -> memref<1x128x128xf32, #tpu.memory_space<vmem>>
    %dma_start3A_453 = tpu.memref_squeeze %dma_start3A_452 : memref<1x128x128xf32, #tpu.memory_space<vmem>> -> memref<128x128xf32, #tpu.memory_space<vmem>>
    %dma_start3A_454 = arith.constant 1152 : i32
    %dma_start3A_455 = tpu.memref_slice %arg4[%mul3A_2, %dma_start3A_454] : memref<4096x3328xf32, #tpu.memory_space<hbm>> -> memref<128x128xf32, #tpu.memory_space<hbm>>
    %dma_start3A_456 = arith.constant 1152 : i32
    %dma_start3A_457 = tpu.memref_slice %arg4[%mul3A_2, %dma_start3A_456] : memref<4096x3328xf32, #tpu.memory_space<hbm>> -> memref<128x128xf32, #tpu.memory_space<hbm>>
    %dma_start3A_458 = arith.constant 0 : i32
    %dma_start3A_459 = arith.constant 0 : i32
    %dma_start3A_460 = tpu.memref_slice %arg8[%dma_start3A_449, %dma_start3A_458, %dma_start3A_459] : memref<6x128x128xf32, #tpu.memory_space<vmem>> -> memref<1x128x128xf32, #tpu.memory_space<vmem>>
    %dma_start3A_461 = tpu.memref_squeeze %dma_start3A_460 : memref<1x128x128xf32, #tpu.memory_space<vmem>> -> memref<128x128xf32, #tpu.memory_space<vmem>>
    tpu.enqueue_dma source(%dma_start3A_461 : memref<128x128xf32, #tpu.memory_space<vmem>>) target(%dma_start3A_457 : memref<128x128xf32, #tpu.memory_space<hbm>>) target_semaphore(%arg18 : memref<!tpu.dma_semaphore, #tpu.memory_space<semaphore_mem>>)
    %dma_wait3A_462 = arith.constant 1 : i32
    %dma_wait3A_463 = arith.constant 0 : i32
    %dma_wait3A_464 = arith.constant 0 : i32
    %dma_wait3A_465 = tpu.memref_slice %arg8[%dma_wait3A_462, %dma_wait3A_463, %dma_wait3A_464] : memref<6x128x128xf32, #tpu.memory_space<vmem>> -> memref<1x128x128xf32, #tpu.memory_space<vmem>>
    %dma_wait3A_466 = tpu.memref_squeeze %dma_wait3A_465 : memref<1x128x128xf32, #tpu.memory_space<vmem>> -> memref<128x128xf32, #tpu.memory_space<vmem>>
    %dma_wait3A_467 = arith.constant 896 : i32
    %dma_wait3A_468 = tpu.memref_slice %arg4[%mul3A_2, %dma_wait3A_467] : memref<4096x3328xf32, #tpu.memory_space<hbm>> -> memref<128x128xf32, #tpu.memory_space<hbm>>
    %dma_wait3A_469 = arith.constant 896 : i32
    %dma_wait3A_470 = tpu.memref_slice %arg4[%mul3A_2, %dma_wait3A_469] : memref<4096x3328xf32, #tpu.memory_space<hbm>> -> memref<128x128xf32, #tpu.memory_space<hbm>>
    %dma_wait3A_471 = arith.constant 0 : i32
    %dma_wait3A_472 = arith.constant 0 : i32
    %dma_wait3A_473 = tpu.memref_slice %arg8[%dma_wait3A_462, %dma_wait3A_471, %dma_wait3A_472] : memref<6x128x128xf32, #tpu.memory_space<vmem>> -> memref<1x128x128xf32, #tpu.memory_space<vmem>>
    %dma_wait3A_474 = tpu.memref_squeeze %dma_wait3A_473 : memref<1x128x128xf32, #tpu.memory_space<vmem>> -> memref<128x128xf32, #tpu.memory_space<vmem>>
    tpu.wait_dma2 semaphore(%arg16 : memref<!tpu.dma_semaphore, #tpu.memory_space<semaphore_mem>>) src(%dma_wait3A_474 : memref<128x128xf32, #tpu.memory_space<vmem>>) dst(%dma_wait3A_470 : memref<128x128xf32, #tpu.memory_space<hbm>>)
    %dma_start3A_475 = arith.constant 1 : i32
    %dma_start3A_476 = arith.constant 0 : i32
    %dma_start3A_477 = arith.constant 0 : i32
    %dma_start3A_478 = tpu.memref_slice %arg8[%dma_start3A_475, %dma_start3A_476, %dma_start3A_477] : memref<6x128x128xf32, #tpu.memory_space<vmem>> -> memref<1x128x128xf32, #tpu.memory_space<vmem>>
    %dma_start3A_479 = tpu.memref_squeeze %dma_start3A_478 : memref<1x128x128xf32, #tpu.memory_space<vmem>> -> memref<128x128xf32, #tpu.memory_space<vmem>>
    %dma_start3A_480 = arith.constant 1664 : i32
    %dma_start3A_481 = tpu.memref_slice %arg7[%dma_start3A_480] : memref<3328xi32, #tpu.memory_space<vmem>> -> memref<128xi32, #tpu.memory_space<vmem>>
    %dma_start3A_482 = arith.constant 0 : i32
    %dma_start3A_483 = arith.constant 0 : i32
    %dma_start3A_484 = tpu.memref_slice %arg5[%dma_start3A_482, %dma_start3A_483] : memref<2600x128xf32, #tpu.memory_space<vmem_shared>> -> memref<2600x128xf32, #tpu.memory_space<vmem_shared>>
    tpu.enqueue_indirect_dma source(%dma_start3A_484 : memref<2600x128xf32, #tpu.memory_space<vmem_shared>>) target(%dma_start3A_479 : memref<128x128xf32, #tpu.memory_space<vmem>>) offsets(%dma_start3A_481 : memref<128xi32, #tpu.memory_space<vmem>>) semaphore(%arg10 : memref<!tpu.dma_semaphore, #tpu.memory_space<semaphore_mem>>)
    %dma_wait3A_485 = arith.constant 4 : i32
    %dma_wait3A_486 = arith.constant 0 : i32
    %dma_wait3A_487 = arith.constant 0 : i32
    %dma_wait3A_488 = tpu.memref_slice %arg8[%dma_wait3A_485, %dma_wait3A_486, %dma_wait3A_487] : memref<6x128x128xf32, #tpu.memory_space<vmem>> -> memref<1x128x128xf32, #tpu.memory_space<vmem>>
    %dma_wait3A_489 = tpu.memref_squeeze %dma_wait3A_488 : memref<1x128x128xf32, #tpu.memory_space<vmem>> -> memref<128x128xf32, #tpu.memory_space<vmem>>
    %dma_wait3A_490 = arith.constant 1280 : i32
    %dma_wait3A_491 = tpu.memref_slice %arg7[%dma_wait3A_490] : memref<3328xi32, #tpu.memory_space<vmem>> -> memref<128xi32, #tpu.memory_space<vmem>>
    %dma_wait3A_492 = arith.constant 0 : i32
    %dma_wait3A_493 = arith.constant 0 : i32
    %dma_wait3A_494 = tpu.memref_slice %arg5[%dma_wait3A_492, %dma_wait3A_493] : memref<2600x128xf32, #tpu.memory_space<vmem_shared>> -> memref<2600x128xf32, #tpu.memory_space<vmem_shared>>
    tpu.wait_indirect_dma semaphore(%arg13 : memref<!tpu.dma_semaphore, #tpu.memory_space<semaphore_mem>>) src(%dma_wait3A_494 : memref<2600x128xf32, #tpu.memory_space<vmem_shared>>) dst(%dma_wait3A_489 : memref<128x128xf32, #tpu.memory_space<vmem>>)
    %dma_start3A_495 = arith.constant 4 : i32
    %dma_start3A_496 = arith.constant 0 : i32
    %dma_start3A_497 = arith.constant 0 : i32
    %dma_start3A_498 = tpu.memref_slice %arg8[%dma_start3A_495, %dma_start3A_496, %dma_start3A_497] : memref<6x128x128xf32, #tpu.memory_space<vmem>> -> memref<1x128x128xf32, #tpu.memory_space<vmem>>
    %dma_start3A_499 = tpu.memref_squeeze %dma_start3A_498 : memref<1x128x128xf32, #tpu.memory_space<vmem>> -> memref<128x128xf32, #tpu.memory_space<vmem>>
    %dma_start3A_500 = arith.constant 1280 : i32
    %dma_start3A_501 = tpu.memref_slice %arg4[%mul3A_2, %dma_start3A_500] : memref<4096x3328xf32, #tpu.memory_space<hbm>> -> memref<128x128xf32, #tpu.memory_space<hbm>>
    %dma_start3A_502 = arith.constant 1280 : i32
    %dma_start3A_503 = tpu.memref_slice %arg4[%mul3A_2, %dma_start3A_502] : memref<4096x3328xf32, #tpu.memory_space<hbm>> -> memref<128x128xf32, #tpu.memory_space<hbm>>
    %dma_start3A_504 = arith.constant 0 : i32
    %dma_start3A_505 = arith.constant 0 : i32
    %dma_start3A_506 = tpu.memref_slice %arg8[%dma_start3A_495, %dma_start3A_504, %dma_start3A_505] : memref<6x128x128xf32, #tpu.memory_space<vmem>> -> memref<1x128x128xf32, #tpu.memory_space<vmem>>
    %dma_start3A_507 = tpu.memref_squeeze %dma_start3A_506 : memref<1x128x128xf32, #tpu.memory_space<vmem>> -> memref<128x128xf32, #tpu.memory_space<vmem>>
    tpu.enqueue_dma source(%dma_start3A_507 : memref<128x128xf32, #tpu.memory_space<vmem>>) target(%dma_start3A_503 : memref<128x128xf32, #tpu.memory_space<hbm>>) target_semaphore(%arg19 : memref<!tpu.dma_semaphore, #tpu.memory_space<semaphore_mem>>)
    %dma_wait3A_508 = arith.constant 2 : i32
    %dma_wait3A_509 = arith.constant 0 : i32
    %dma_wait3A_510 = arith.constant 0 : i32
    %dma_wait3A_511 = tpu.memref_slice %arg8[%dma_wait3A_508, %dma_wait3A_509, %dma_wait3A_510] : memref<6x128x128xf32, #tpu.memory_space<vmem>> -> memref<1x128x128xf32, #tpu.memory_space<vmem>>
    %dma_wait3A_512 = tpu.memref_squeeze %dma_wait3A_511 : memref<1x128x128xf32, #tpu.memory_space<vmem>> -> memref<128x128xf32, #tpu.memory_space<vmem>>
    %dma_wait3A_513 = arith.constant 1024 : i32
    %dma_wait3A_514 = tpu.memref_slice %arg4[%mul3A_2, %dma_wait3A_513] : memref<4096x3328xf32, #tpu.memory_space<hbm>> -> memref<128x128xf32, #tpu.memory_space<hbm>>
    %dma_wait3A_515 = arith.constant 1024 : i32
    %dma_wait3A_516 = tpu.memref_slice %arg4[%mul3A_2, %dma_wait3A_515] : memref<4096x3328xf32, #tpu.memory_space<hbm>> -> memref<128x128xf32, #tpu.memory_space<hbm>>
    %dma_wait3A_517 = arith.constant 0 : i32
    %dma_wait3A_518 = arith.constant 0 : i32
    %dma_wait3A_519 = tpu.memref_slice %arg8[%dma_wait3A_508, %dma_wait3A_517, %dma_wait3A_518] : memref<6x128x128xf32, #tpu.memory_space<vmem>> -> memref<1x128x128xf32, #tpu.memory_space<vmem>>
    %dma_wait3A_520 = tpu.memref_squeeze %dma_wait3A_519 : memref<1x128x128xf32, #tpu.memory_space<vmem>> -> memref<128x128xf32, #tpu.memory_space<vmem>>
    tpu.wait_dma2 semaphore(%arg17 : memref<!tpu.dma_semaphore, #tpu.memory_space<semaphore_mem>>) src(%dma_wait3A_520 : memref<128x128xf32, #tpu.memory_space<vmem>>) dst(%dma_wait3A_516 : memref<128x128xf32, #tpu.memory_space<hbm>>)
    %dma_start3A_521 = arith.constant 2 : i32
    %dma_start3A_522 = arith.constant 0 : i32
    %dma_start3A_523 = arith.constant 0 : i32
    %dma_start3A_524 = tpu.memref_slice %arg8[%dma_start3A_521, %dma_start3A_522, %dma_start3A_523] : memref<6x128x128xf32, #tpu.memory_space<vmem>> -> memref<1x128x128xf32, #tpu.memory_space<vmem>>
    %dma_start3A_525 = tpu.memref_squeeze %dma_start3A_524 : memref<1x128x128xf32, #tpu.memory_space<vmem>> -> memref<128x128xf32, #tpu.memory_space<vmem>>
    %dma_start3A_526 = arith.constant 1792 : i32
    %dma_start3A_527 = tpu.memref_slice %arg7[%dma_start3A_526] : memref<3328xi32, #tpu.memory_space<vmem>> -> memref<128xi32, #tpu.memory_space<vmem>>
    %dma_start3A_528 = arith.constant 0 : i32
    %dma_start3A_529 = arith.constant 0 : i32
    %dma_start3A_530 = tpu.memref_slice %arg5[%dma_start3A_528, %dma_start3A_529] : memref<2600x128xf32, #tpu.memory_space<vmem_shared>> -> memref<2600x128xf32, #tpu.memory_space<vmem_shared>>
    tpu.enqueue_indirect_dma source(%dma_start3A_530 : memref<2600x128xf32, #tpu.memory_space<vmem_shared>>) target(%dma_start3A_525 : memref<128x128xf32, #tpu.memory_space<vmem>>) offsets(%dma_start3A_527 : memref<128xi32, #tpu.memory_space<vmem>>) semaphore(%arg11 : memref<!tpu.dma_semaphore, #tpu.memory_space<semaphore_mem>>)
    %dma_wait3A_531 = arith.constant 5 : i32
    %dma_wait3A_532 = arith.constant 0 : i32
    %dma_wait3A_533 = arith.constant 0 : i32
    %dma_wait3A_534 = tpu.memref_slice %arg8[%dma_wait3A_531, %dma_wait3A_532, %dma_wait3A_533] : memref<6x128x128xf32, #tpu.memory_space<vmem>> -> memref<1x128x128xf32, #tpu.memory_space<vmem>>
    %dma_wait3A_535 = tpu.memref_squeeze %dma_wait3A_534 : memref<1x128x128xf32, #tpu.memory_space<vmem>> -> memref<128x128xf32, #tpu.memory_space<vmem>>
    %dma_wait3A_536 = arith.constant 1408 : i32
    %dma_wait3A_537 = tpu.memref_slice %arg7[%dma_wait3A_536] : memref<3328xi32, #tpu.memory_space<vmem>> -> memref<128xi32, #tpu.memory_space<vmem>>
    %dma_wait3A_538 = arith.constant 0 : i32
    %dma_wait3A_539 = arith.constant 0 : i32
    %dma_wait3A_540 = tpu.memref_slice %arg5[%dma_wait3A_538, %dma_wait3A_539] : memref<2600x128xf32, #tpu.memory_space<vmem_shared>> -> memref<2600x128xf32, #tpu.memory_space<vmem_shared>>
    tpu.wait_indirect_dma semaphore(%arg14 : memref<!tpu.dma_semaphore, #tpu.memory_space<semaphore_mem>>) src(%dma_wait3A_540 : memref<2600x128xf32, #tpu.memory_space<vmem_shared>>) dst(%dma_wait3A_535 : memref<128x128xf32, #tpu.memory_space<vmem>>)
    %dma_start3A_541 = arith.constant 5 : i32
    %dma_start3A_542 = arith.constant 0 : i32
    %dma_start3A_543 = arith.constant 0 : i32
    %dma_start3A_544 = tpu.memref_slice %arg8[%dma_start3A_541, %dma_start3A_542, %dma_start3A_543] : memref<6x128x128xf32, #tpu.memory_space<vmem>> -> memref<1x128x128xf32, #tpu.memory_space<vmem>>
    %dma_start3A_545 = tpu.memref_squeeze %dma_start3A_544 : memref<1x128x128xf32, #tpu.memory_space<vmem>> -> memref<128x128xf32, #tpu.memory_space<vmem>>
    %dma_start3A_546 = arith.constant 1408 : i32
    %dma_start3A_547 = tpu.memref_slice %arg4[%mul3A_2, %dma_start3A_546] : memref<4096x3328xf32, #tpu.memory_space<hbm>> -> memref<128x128xf32, #tpu.memory_space<hbm>>
    %dma_start3A_548 = arith.constant 1408 : i32
    %dma_start3A_549 = tpu.memref_slice %arg4[%mul3A_2, %dma_start3A_548] : memref<4096x3328xf32, #tpu.memory_space<hbm>> -> memref<128x128xf32, #tpu.memory_space<hbm>>
    %dma_start3A_550 = arith.constant 0 : i32
    %dma_start3A_551 = arith.constant 0 : i32
    %dma_start3A_552 = tpu.memref_slice %arg8[%dma_start3A_541, %dma_start3A_550, %dma_start3A_551] : memref<6x128x128xf32, #tpu.memory_space<vmem>> -> memref<1x128x128xf32, #tpu.memory_space<vmem>>
    %dma_start3A_553 = tpu.memref_squeeze %dma_start3A_552 : memref<1x128x128xf32, #tpu.memory_space<vmem>> -> memref<128x128xf32, #tpu.memory_space<vmem>>
    tpu.enqueue_dma source(%dma_start3A_553 : memref<128x128xf32, #tpu.memory_space<vmem>>) target(%dma_start3A_549 : memref<128x128xf32, #tpu.memory_space<hbm>>) target_semaphore(%arg20 : memref<!tpu.dma_semaphore, #tpu.memory_space<semaphore_mem>>)
    %dma_wait3A_554 = arith.constant 3 : i32
    %dma_wait3A_555 = arith.constant 0 : i32
    %dma_wait3A_556 = arith.constant 0 : i32
    %dma_wait3A_557 = tpu.memref_slice %arg8[%dma_wait3A_554, %dma_wait3A_555, %dma_wait3A_556] : memref<6x128x128xf32, #tpu.memory_space<vmem>> -> memref<1x128x128xf32, #tpu.memory_space<vmem>>
    %dma_wait3A_558 = tpu.memref_squeeze %dma_wait3A_557 : memref<1x128x128xf32, #tpu.memory_space<vmem>> -> memref<128x128xf32, #tpu.memory_space<vmem>>
    %dma_wait3A_559 = arith.constant 1152 : i32
    %dma_wait3A_560 = tpu.memref_slice %arg4[%mul3A_2, %dma_wait3A_559] : memref<4096x3328xf32, #tpu.memory_space<hbm>> -> memref<128x128xf32, #tpu.memory_space<hbm>>
    %dma_wait3A_561 = arith.constant 1152 : i32
    %dma_wait3A_562 = tpu.memref_slice %arg4[%mul3A_2, %dma_wait3A_561] : memref<4096x3328xf32, #tpu.memory_space<hbm>> -> memref<128x128xf32, #tpu.memory_space<hbm>>
    %dma_wait3A_563 = arith.constant 0 : i32
    %dma_wait3A_564 = arith.constant 0 : i32
    %dma_wait3A_565 = tpu.memref_slice %arg8[%dma_wait3A_554, %dma_wait3A_563, %dma_wait3A_564] : memref<6x128x128xf32, #tpu.memory_space<vmem>> -> memref<1x128x128xf32, #tpu.memory_space<vmem>>
    %dma_wait3A_566 = tpu.memref_squeeze %dma_wait3A_565 : memref<1x128x128xf32, #tpu.memory_space<vmem>> -> memref<128x128xf32, #tpu.memory_space<vmem>>
    tpu.wait_dma2 semaphore(%arg18 : memref<!tpu.dma_semaphore, #tpu.memory_space<semaphore_mem>>) src(%dma_wait3A_566 : memref<128x128xf32, #tpu.memory_space<vmem>>) dst(%dma_wait3A_562 : memref<128x128xf32, #tpu.memory_space<hbm>>)
    %dma_start3A_567 = arith.constant 3 : i32
    %dma_start3A_568 = arith.constant 0 : i32
    %dma_start3A_569 = arith.constant 0 : i32
    %dma_start3A_570 = tpu.memref_slice %arg8[%dma_start3A_567, %dma_start3A_568, %dma_start3A_569] : memref<6x128x128xf32, #tpu.memory_space<vmem>> -> memref<1x128x128xf32, #tpu.memory_space<vmem>>
    %dma_start3A_571 = tpu.memref_squeeze %dma_start3A_570 : memref<1x128x128xf32, #tpu.memory_space<vmem>> -> memref<128x128xf32, #tpu.memory_space<vmem>>
    %dma_start3A_572 = arith.constant 1920 : i32
    %dma_start3A_573 = tpu.memref_slice %arg7[%dma_start3A_572] : memref<3328xi32, #tpu.memory_space<vmem>> -> memref<128xi32, #tpu.memory_space<vmem>>
    %dma_start3A_574 = arith.constant 0 : i32
    %dma_start3A_575 = arith.constant 0 : i32
    %dma_start3A_576 = tpu.memref_slice %arg5[%dma_start3A_574, %dma_start3A_575] : memref<2600x128xf32, #tpu.memory_space<vmem_shared>> -> memref<2600x128xf32, #tpu.memory_space<vmem_shared>>
    tpu.enqueue_indirect_dma source(%dma_start3A_576 : memref<2600x128xf32, #tpu.memory_space<vmem_shared>>) target(%dma_start3A_571 : memref<128x128xf32, #tpu.memory_space<vmem>>) offsets(%dma_start3A_573 : memref<128xi32, #tpu.memory_space<vmem>>) semaphore(%arg12 : memref<!tpu.dma_semaphore, #tpu.memory_space<semaphore_mem>>)
    %dma_wait3A_577 = arith.constant 0 : i32
    %dma_wait3A_578 = arith.constant 0 : i32
    %dma_wait3A_579 = arith.constant 0 : i32
    %dma_wait3A_580 = tpu.memref_slice %arg8[%dma_wait3A_577, %dma_wait3A_578, %dma_wait3A_579] : memref<6x128x128xf32, #tpu.memory_space<vmem>> -> memref<1x128x128xf32, #tpu.memory_space<vmem>>
    %dma_wait3A_581 = tpu.memref_squeeze %dma_wait3A_580 : memref<1x128x128xf32, #tpu.memory_space<vmem>> -> memref<128x128xf32, #tpu.memory_space<vmem>>
    %dma_wait3A_582 = arith.constant 1536 : i32
    %dma_wait3A_583 = tpu.memref_slice %arg7[%dma_wait3A_582] : memref<3328xi32, #tpu.memory_space<vmem>> -> memref<128xi32, #tpu.memory_space<vmem>>
    %dma_wait3A_584 = arith.constant 0 : i32
    %dma_wait3A_585 = arith.constant 0 : i32
    %dma_wait3A_586 = tpu.memref_slice %arg5[%dma_wait3A_584, %dma_wait3A_585] : memref<2600x128xf32, #tpu.memory_space<vmem_shared>> -> memref<2600x128xf32, #tpu.memory_space<vmem_shared>>
    tpu.wait_indirect_dma semaphore(%arg9 : memref<!tpu.dma_semaphore, #tpu.memory_space<semaphore_mem>>) src(%dma_wait3A_586 : memref<2600x128xf32, #tpu.memory_space<vmem_shared>>) dst(%dma_wait3A_581 : memref<128x128xf32, #tpu.memory_space<vmem>>)
    %dma_start3A_587 = arith.constant 0 : i32
    %dma_start3A_588 = arith.constant 0 : i32
    %dma_start3A_589 = arith.constant 0 : i32
    %dma_start3A_590 = tpu.memref_slice %arg8[%dma_start3A_587, %dma_start3A_588, %dma_start3A_589] : memref<6x128x128xf32, #tpu.memory_space<vmem>> -> memref<1x128x128xf32, #tpu.memory_space<vmem>>
    %dma_start3A_591 = tpu.memref_squeeze %dma_start3A_590 : memref<1x128x128xf32, #tpu.memory_space<vmem>> -> memref<128x128xf32, #tpu.memory_space<vmem>>
    %dma_start3A_592 = arith.constant 1536 : i32
    %dma_start3A_593 = tpu.memref_slice %arg4[%mul3A_2, %dma_start3A_592] : memref<4096x3328xf32, #tpu.memory_space<hbm>> -> memref<128x128xf32, #tpu.memory_space<hbm>>
    %dma_start3A_594 = arith.constant 1536 : i32
    %dma_start3A_595 = tpu.memref_slice %arg4[%mul3A_2, %dma_start3A_594] : memref<4096x3328xf32, #tpu.memory_space<hbm>> -> memref<128x128xf32, #tpu.memory_space<hbm>>
    %dma_start3A_596 = arith.constant 0 : i32
    %dma_start3A_597 = arith.constant 0 : i32
    %dma_start3A_598 = tpu.memref_slice %arg8[%dma_start3A_587, %dma_start3A_596, %dma_start3A_597] : memref<6x128x128xf32, #tpu.memory_space<vmem>> -> memref<1x128x128xf32, #tpu.memory_space<vmem>>
    %dma_start3A_599 = tpu.memref_squeeze %dma_start3A_598 : memref<1x128x128xf32, #tpu.memory_space<vmem>> -> memref<128x128xf32, #tpu.memory_space<vmem>>
    tpu.enqueue_dma source(%dma_start3A_599 : memref<128x128xf32, #tpu.memory_space<vmem>>) target(%dma_start3A_595 : memref<128x128xf32, #tpu.memory_space<hbm>>) target_semaphore(%arg15 : memref<!tpu.dma_semaphore, #tpu.memory_space<semaphore_mem>>)
    %dma_wait3A_600 = arith.constant 4 : i32
    %dma_wait3A_601 = arith.constant 0 : i32
    %dma_wait3A_602 = arith.constant 0 : i32
    %dma_wait3A_603 = tpu.memref_slice %arg8[%dma_wait3A_600, %dma_wait3A_601, %dma_wait3A_602] : memref<6x128x128xf32, #tpu.memory_space<vmem>> -> memref<1x128x128xf32, #tpu.memory_space<vmem>>
    %dma_wait3A_604 = tpu.memref_squeeze %dma_wait3A_603 : memref<1x128x128xf32, #tpu.memory_space<vmem>> -> memref<128x128xf32, #tpu.memory_space<vmem>>
    %dma_wait3A_605 = arith.constant 1280 : i32
    %dma_wait3A_606 = tpu.memref_slice %arg4[%mul3A_2, %dma_wait3A_605] : memref<4096x3328xf32, #tpu.memory_space<hbm>> -> memref<128x128xf32, #tpu.memory_space<hbm>>
    %dma_wait3A_607 = arith.constant 1280 : i32
    %dma_wait3A_608 = tpu.memref_slice %arg4[%mul3A_2, %dma_wait3A_607] : memref<4096x3328xf32, #tpu.memory_space<hbm>> -> memref<128x128xf32, #tpu.memory_space<hbm>>
    %dma_wait3A_609 = arith.constant 0 : i32
    %dma_wait3A_610 = arith.constant 0 : i32
    %dma_wait3A_611 = tpu.memref_slice %arg8[%dma_wait3A_600, %dma_wait3A_609, %dma_wait3A_610] : memref<6x128x128xf32, #tpu.memory_space<vmem>> -> memref<1x128x128xf32, #tpu.memory_space<vmem>>
    %dma_wait3A_612 = tpu.memref_squeeze %dma_wait3A_611 : memref<1x128x128xf32, #tpu.memory_space<vmem>> -> memref<128x128xf32, #tpu.memory_space<vmem>>
    tpu.wait_dma2 semaphore(%arg19 : memref<!tpu.dma_semaphore, #tpu.memory_space<semaphore_mem>>) src(%dma_wait3A_612 : memref<128x128xf32, #tpu.memory_space<vmem>>) dst(%dma_wait3A_608 : memref<128x128xf32, #tpu.memory_space<hbm>>)
    %dma_start3A_613 = arith.constant 4 : i32
    %dma_start3A_614 = arith.constant 0 : i32
    %dma_start3A_615 = arith.constant 0 : i32
    %dma_start3A_616 = tpu.memref_slice %arg8[%dma_start3A_613, %dma_start3A_614, %dma_start3A_615] : memref<6x128x128xf32, #tpu.memory_space<vmem>> -> memref<1x128x128xf32, #tpu.memory_space<vmem>>
    %dma_start3A_617 = tpu.memref_squeeze %dma_start3A_616 : memref<1x128x128xf32, #tpu.memory_space<vmem>> -> memref<128x128xf32, #tpu.memory_space<vmem>>
    %dma_start3A_618 = arith.constant 2048 : i32
    %dma_start3A_619 = tpu.memref_slice %arg7[%dma_start3A_618] : memref<3328xi32, #tpu.memory_space<vmem>> -> memref<128xi32, #tpu.memory_space<vmem>>
    %dma_start3A_620 = arith.constant 0 : i32
    %dma_start3A_621 = arith.constant 0 : i32
    %dma_start3A_622 = tpu.memref_slice %arg5[%dma_start3A_620, %dma_start3A_621] : memref<2600x128xf32, #tpu.memory_space<vmem_shared>> -> memref<2600x128xf32, #tpu.memory_space<vmem_shared>>
    tpu.enqueue_indirect_dma source(%dma_start3A_622 : memref<2600x128xf32, #tpu.memory_space<vmem_shared>>) target(%dma_start3A_617 : memref<128x128xf32, #tpu.memory_space<vmem>>) offsets(%dma_start3A_619 : memref<128xi32, #tpu.memory_space<vmem>>) semaphore(%arg13 : memref<!tpu.dma_semaphore, #tpu.memory_space<semaphore_mem>>)
    %dma_wait3A_623 = arith.constant 1 : i32
    %dma_wait3A_624 = arith.constant 0 : i32
    %dma_wait3A_625 = arith.constant 0 : i32
    %dma_wait3A_626 = tpu.memref_slice %arg8[%dma_wait3A_623, %dma_wait3A_624, %dma_wait3A_625] : memref<6x128x128xf32, #tpu.memory_space<vmem>> -> memref<1x128x128xf32, #tpu.memory_space<vmem>>
    %dma_wait3A_627 = tpu.memref_squeeze %dma_wait3A_626 : memref<1x128x128xf32, #tpu.memory_space<vmem>> -> memref<128x128xf32, #tpu.memory_space<vmem>>
    %dma_wait3A_628 = arith.constant 1664 : i32
    %dma_wait3A_629 = tpu.memref_slice %arg7[%dma_wait3A_628] : memref<3328xi32, #tpu.memory_space<vmem>> -> memref<128xi32, #tpu.memory_space<vmem>>
    %dma_wait3A_630 = arith.constant 0 : i32
    %dma_wait3A_631 = arith.constant 0 : i32
    %dma_wait3A_632 = tpu.memref_slice %arg5[%dma_wait3A_630, %dma_wait3A_631] : memref<2600x128xf32, #tpu.memory_space<vmem_shared>> -> memref<2600x128xf32, #tpu.memory_space<vmem_shared>>
    tpu.wait_indirect_dma semaphore(%arg10 : memref<!tpu.dma_semaphore, #tpu.memory_space<semaphore_mem>>) src(%dma_wait3A_632 : memref<2600x128xf32, #tpu.memory_space<vmem_shared>>) dst(%dma_wait3A_627 : memref<128x128xf32, #tpu.memory_space<vmem>>)
    %dma_start3A_633 = arith.constant 1 : i32
    %dma_start3A_634 = arith.constant 0 : i32
    %dma_start3A_635 = arith.constant 0 : i32
    %dma_start3A_636 = tpu.memref_slice %arg8[%dma_start3A_633, %dma_start3A_634, %dma_start3A_635] : memref<6x128x128xf32, #tpu.memory_space<vmem>> -> memref<1x128x128xf32, #tpu.memory_space<vmem>>
    %dma_start3A_637 = tpu.memref_squeeze %dma_start3A_636 : memref<1x128x128xf32, #tpu.memory_space<vmem>> -> memref<128x128xf32, #tpu.memory_space<vmem>>
    %dma_start3A_638 = arith.constant 1664 : i32
    %dma_start3A_639 = tpu.memref_slice %arg4[%mul3A_2, %dma_start3A_638] : memref<4096x3328xf32, #tpu.memory_space<hbm>> -> memref<128x128xf32, #tpu.memory_space<hbm>>
    %dma_start3A_640 = arith.constant 1664 : i32
    %dma_start3A_641 = tpu.memref_slice %arg4[%mul3A_2, %dma_start3A_640] : memref<4096x3328xf32, #tpu.memory_space<hbm>> -> memref<128x128xf32, #tpu.memory_space<hbm>>
    %dma_start3A_642 = arith.constant 0 : i32
    %dma_start3A_643 = arith.constant 0 : i32
    %dma_start3A_644 = tpu.memref_slice %arg8[%dma_start3A_633, %dma_start3A_642, %dma_start3A_643] : memref<6x128x128xf32, #tpu.memory_space<vmem>> -> memref<1x128x128xf32, #tpu.memory_space<vmem>>
    %dma_start3A_645 = tpu.memref_squeeze %dma_start3A_644 : memref<1x128x128xf32, #tpu.memory_space<vmem>> -> memref<128x128xf32, #tpu.memory_space<vmem>>
    tpu.enqueue_dma source(%dma_start3A_645 : memref<128x128xf32, #tpu.memory_space<vmem>>) target(%dma_start3A_641 : memref<128x128xf32, #tpu.memory_space<hbm>>) target_semaphore(%arg16 : memref<!tpu.dma_semaphore, #tpu.memory_space<semaphore_mem>>)
    %dma_wait3A_646 = arith.constant 5 : i32
    %dma_wait3A_647 = arith.constant 0 : i32
    %dma_wait3A_648 = arith.constant 0 : i32
    %dma_wait3A_649 = tpu.memref_slice %arg8[%dma_wait3A_646, %dma_wait3A_647, %dma_wait3A_648] : memref<6x128x128xf32, #tpu.memory_space<vmem>> -> memref<1x128x128xf32, #tpu.memory_space<vmem>>
    %dma_wait3A_650 = tpu.memref_squeeze %dma_wait3A_649 : memref<1x128x128xf32, #tpu.memory_space<vmem>> -> memref<128x128xf32, #tpu.memory_space<vmem>>
    %dma_wait3A_651 = arith.constant 1408 : i32
    %dma_wait3A_652 = tpu.memref_slice %arg4[%mul3A_2, %dma_wait3A_651] : memref<4096x3328xf32, #tpu.memory_space<hbm>> -> memref<128x128xf32, #tpu.memory_space<hbm>>
    %dma_wait3A_653 = arith.constant 1408 : i32
    %dma_wait3A_654 = tpu.memref_slice %arg4[%mul3A_2, %dma_wait3A_653] : memref<4096x3328xf32, #tpu.memory_space<hbm>> -> memref<128x128xf32, #tpu.memory_space<hbm>>
    %dma_wait3A_655 = arith.constant 0 : i32
    %dma_wait3A_656 = arith.constant 0 : i32
    %dma_wait3A_657 = tpu.memref_slice %arg8[%dma_wait3A_646, %dma_wait3A_655, %dma_wait3A_656] : memref<6x128x128xf32, #tpu.memory_space<vmem>> -> memref<1x128x128xf32, #tpu.memory_space<vmem>>
    %dma_wait3A_658 = tpu.memref_squeeze %dma_wait3A_657 : memref<1x128x128xf32, #tpu.memory_space<vmem>> -> memref<128x128xf32, #tpu.memory_space<vmem>>
    tpu.wait_dma2 semaphore(%arg20 : memref<!tpu.dma_semaphore, #tpu.memory_space<semaphore_mem>>) src(%dma_wait3A_658 : memref<128x128xf32, #tpu.memory_space<vmem>>) dst(%dma_wait3A_654 : memref<128x128xf32, #tpu.memory_space<hbm>>)
    %dma_start3A_659 = arith.constant 5 : i32
    %dma_start3A_660 = arith.constant 0 : i32
    %dma_start3A_661 = arith.constant 0 : i32
    %dma_start3A_662 = tpu.memref_slice %arg8[%dma_start3A_659, %dma_start3A_660, %dma_start3A_661] : memref<6x128x128xf32, #tpu.memory_space<vmem>> -> memref<1x128x128xf32, #tpu.memory_space<vmem>>
    %dma_start3A_663 = tpu.memref_squeeze %dma_start3A_662 : memref<1x128x128xf32, #tpu.memory_space<vmem>> -> memref<128x128xf32, #tpu.memory_space<vmem>>
    %dma_start3A_664 = arith.constant 2176 : i32
    %dma_start3A_665 = tpu.memref_slice %arg7[%dma_start3A_664] : memref<3328xi32, #tpu.memory_space<vmem>> -> memref<128xi32, #tpu.memory_space<vmem>>
    %dma_start3A_666 = arith.constant 0 : i32
    %dma_start3A_667 = arith.constant 0 : i32
    %dma_start3A_668 = tpu.memref_slice %arg5[%dma_start3A_666, %dma_start3A_667] : memref<2600x128xf32, #tpu.memory_space<vmem_shared>> -> memref<2600x128xf32, #tpu.memory_space<vmem_shared>>
    tpu.enqueue_indirect_dma source(%dma_start3A_668 : memref<2600x128xf32, #tpu.memory_space<vmem_shared>>) target(%dma_start3A_663 : memref<128x128xf32, #tpu.memory_space<vmem>>) offsets(%dma_start3A_665 : memref<128xi32, #tpu.memory_space<vmem>>) semaphore(%arg14 : memref<!tpu.dma_semaphore, #tpu.memory_space<semaphore_mem>>)
    %dma_wait3A_669 = arith.constant 2 : i32
    %dma_wait3A_670 = arith.constant 0 : i32
    %dma_wait3A_671 = arith.constant 0 : i32
    %dma_wait3A_672 = tpu.memref_slice %arg8[%dma_wait3A_669, %dma_wait3A_670, %dma_wait3A_671] : memref<6x128x128xf32, #tpu.memory_space<vmem>> -> memref<1x128x128xf32, #tpu.memory_space<vmem>>
    %dma_wait3A_673 = tpu.memref_squeeze %dma_wait3A_672 : memref<1x128x128xf32, #tpu.memory_space<vmem>> -> memref<128x128xf32, #tpu.memory_space<vmem>>
    %dma_wait3A_674 = arith.constant 1792 : i32
    %dma_wait3A_675 = tpu.memref_slice %arg7[%dma_wait3A_674] : memref<3328xi32, #tpu.memory_space<vmem>> -> memref<128xi32, #tpu.memory_space<vmem>>
    %dma_wait3A_676 = arith.constant 0 : i32
    %dma_wait3A_677 = arith.constant 0 : i32
    %dma_wait3A_678 = tpu.memref_slice %arg5[%dma_wait3A_676, %dma_wait3A_677] : memref<2600x128xf32, #tpu.memory_space<vmem_shared>> -> memref<2600x128xf32, #tpu.memory_space<vmem_shared>>
    tpu.wait_indirect_dma semaphore(%arg11 : memref<!tpu.dma_semaphore, #tpu.memory_space<semaphore_mem>>) src(%dma_wait3A_678 : memref<2600x128xf32, #tpu.memory_space<vmem_shared>>) dst(%dma_wait3A_673 : memref<128x128xf32, #tpu.memory_space<vmem>>)
    %dma_start3A_679 = arith.constant 2 : i32
    %dma_start3A_680 = arith.constant 0 : i32
    %dma_start3A_681 = arith.constant 0 : i32
    %dma_start3A_682 = tpu.memref_slice %arg8[%dma_start3A_679, %dma_start3A_680, %dma_start3A_681] : memref<6x128x128xf32, #tpu.memory_space<vmem>> -> memref<1x128x128xf32, #tpu.memory_space<vmem>>
    %dma_start3A_683 = tpu.memref_squeeze %dma_start3A_682 : memref<1x128x128xf32, #tpu.memory_space<vmem>> -> memref<128x128xf32, #tpu.memory_space<vmem>>
    %dma_start3A_684 = arith.constant 1792 : i32
    %dma_start3A_685 = tpu.memref_slice %arg4[%mul3A_2, %dma_start3A_684] : memref<4096x3328xf32, #tpu.memory_space<hbm>> -> memref<128x128xf32, #tpu.memory_space<hbm>>
    %dma_start3A_686 = arith.constant 1792 : i32
    %dma_start3A_687 = tpu.memref_slice %arg4[%mul3A_2, %dma_start3A_686] : memref<4096x3328xf32, #tpu.memory_space<hbm>> -> memref<128x128xf32, #tpu.memory_space<hbm>>
    %dma_start3A_688 = arith.constant 0 : i32
    %dma_start3A_689 = arith.constant 0 : i32
    %dma_start3A_690 = tpu.memref_slice %arg8[%dma_start3A_679, %dma_start3A_688, %dma_start3A_689] : memref<6x128x128xf32, #tpu.memory_space<vmem>> -> memref<1x128x128xf32, #tpu.memory_space<vmem>>
    %dma_start3A_691 = tpu.memref_squeeze %dma_start3A_690 : memref<1x128x128xf32, #tpu.memory_space<vmem>> -> memref<128x128xf32, #tpu.memory_space<vmem>>
    tpu.enqueue_dma source(%dma_start3A_691 : memref<128x128xf32, #tpu.memory_space<vmem>>) target(%dma_start3A_687 : memref<128x128xf32, #tpu.memory_space<hbm>>) target_semaphore(%arg17 : memref<!tpu.dma_semaphore, #tpu.memory_space<semaphore_mem>>)
    %dma_wait3A_692 = arith.constant 0 : i32
    %dma_wait3A_693 = arith.constant 0 : i32
    %dma_wait3A_694 = arith.constant 0 : i32
    %dma_wait3A_695 = tpu.memref_slice %arg8[%dma_wait3A_692, %dma_wait3A_693, %dma_wait3A_694] : memref<6x128x128xf32, #tpu.memory_space<vmem>> -> memref<1x128x128xf32, #tpu.memory_space<vmem>>
    %dma_wait3A_696 = tpu.memref_squeeze %dma_wait3A_695 : memref<1x128x128xf32, #tpu.memory_space<vmem>> -> memref<128x128xf32, #tpu.memory_space<vmem>>
    %dma_wait3A_697 = arith.constant 1536 : i32
    %dma_wait3A_698 = tpu.memref_slice %arg4[%mul3A_2, %dma_wait3A_697] : memref<4096x3328xf32, #tpu.memory_space<hbm>> -> memref<128x128xf32, #tpu.memory_space<hbm>>
    %dma_wait3A_699 = arith.constant 1536 : i32
    %dma_wait3A_700 = tpu.memref_slice %arg4[%mul3A_2, %dma_wait3A_699] : memref<4096x3328xf32, #tpu.memory_space<hbm>> -> memref<128x128xf32, #tpu.memory_space<hbm>>
    %dma_wait3A_701 = arith.constant 0 : i32
    %dma_wait3A_702 = arith.constant 0 : i32
    %dma_wait3A_703 = tpu.memref_slice %arg8[%dma_wait3A_692, %dma_wait3A_701, %dma_wait3A_702] : memref<6x128x128xf32, #tpu.memory_space<vmem>> -> memref<1x128x128xf32, #tpu.memory_space<vmem>>
    %dma_wait3A_704 = tpu.memref_squeeze %dma_wait3A_703 : memref<1x128x128xf32, #tpu.memory_space<vmem>> -> memref<128x128xf32, #tpu.memory_space<vmem>>
    tpu.wait_dma2 semaphore(%arg15 : memref<!tpu.dma_semaphore, #tpu.memory_space<semaphore_mem>>) src(%dma_wait3A_704 : memref<128x128xf32, #tpu.memory_space<vmem>>) dst(%dma_wait3A_700 : memref<128x128xf32, #tpu.memory_space<hbm>>)
    %dma_start3A_705 = arith.constant 0 : i32
    %dma_start3A_706 = arith.constant 0 : i32
    %dma_start3A_707 = arith.constant 0 : i32
    %dma_start3A_708 = tpu.memref_slice %arg8[%dma_start3A_705, %dma_start3A_706, %dma_start3A_707] : memref<6x128x128xf32, #tpu.memory_space<vmem>> -> memref<1x128x128xf32, #tpu.memory_space<vmem>>
    %dma_start3A_709 = tpu.memref_squeeze %dma_start3A_708 : memref<1x128x128xf32, #tpu.memory_space<vmem>> -> memref<128x128xf32, #tpu.memory_space<vmem>>
    %dma_start3A_710 = arith.constant 2304 : i32
    %dma_start3A_711 = tpu.memref_slice %arg7[%dma_start3A_710] : memref<3328xi32, #tpu.memory_space<vmem>> -> memref<128xi32, #tpu.memory_space<vmem>>
    %dma_start3A_712 = arith.constant 0 : i32
    %dma_start3A_713 = arith.constant 0 : i32
    %dma_start3A_714 = tpu.memref_slice %arg5[%dma_start3A_712, %dma_start3A_713] : memref<2600x128xf32, #tpu.memory_space<vmem_shared>> -> memref<2600x128xf32, #tpu.memory_space<vmem_shared>>
    tpu.enqueue_indirect_dma source(%dma_start3A_714 : memref<2600x128xf32, #tpu.memory_space<vmem_shared>>) target(%dma_start3A_709 : memref<128x128xf32, #tpu.memory_space<vmem>>) offsets(%dma_start3A_711 : memref<128xi32, #tpu.memory_space<vmem>>) semaphore(%arg9 : memref<!tpu.dma_semaphore, #tpu.memory_space<semaphore_mem>>)
    %dma_wait3A_715 = arith.constant 3 : i32
    %dma_wait3A_716 = arith.constant 0 : i32
    %dma_wait3A_717 = arith.constant 0 : i32
    %dma_wait3A_718 = tpu.memref_slice %arg8[%dma_wait3A_715, %dma_wait3A_716, %dma_wait3A_717] : memref<6x128x128xf32, #tpu.memory_space<vmem>> -> memref<1x128x128xf32, #tpu.memory_space<vmem>>
    %dma_wait3A_719 = tpu.memref_squeeze %dma_wait3A_718 : memref<1x128x128xf32, #tpu.memory_space<vmem>> -> memref<128x128xf32, #tpu.memory_space<vmem>>
    %dma_wait3A_720 = arith.constant 1920 : i32
    %dma_wait3A_721 = tpu.memref_slice %arg7[%dma_wait3A_720] : memref<3328xi32, #tpu.memory_space<vmem>> -> memref<128xi32, #tpu.memory_space<vmem>>
    %dma_wait3A_722 = arith.constant 0 : i32
    %dma_wait3A_723 = arith.constant 0 : i32
    %dma_wait3A_724 = tpu.memref_slice %arg5[%dma_wait3A_722, %dma_wait3A_723] : memref<2600x128xf32, #tpu.memory_space<vmem_shared>> -> memref<2600x128xf32, #tpu.memory_space<vmem_shared>>
    tpu.wait_indirect_dma semaphore(%arg12 : memref<!tpu.dma_semaphore, #tpu.memory_space<semaphore_mem>>) src(%dma_wait3A_724 : memref<2600x128xf32, #tpu.memory_space<vmem_shared>>) dst(%dma_wait3A_719 : memref<128x128xf32, #tpu.memory_space<vmem>>)
    %dma_start3A_725 = arith.constant 3 : i32
    %dma_start3A_726 = arith.constant 0 : i32
    %dma_start3A_727 = arith.constant 0 : i32
    %dma_start3A_728 = tpu.memref_slice %arg8[%dma_start3A_725, %dma_start3A_726, %dma_start3A_727] : memref<6x128x128xf32, #tpu.memory_space<vmem>> -> memref<1x128x128xf32, #tpu.memory_space<vmem>>
    %dma_start3A_729 = tpu.memref_squeeze %dma_start3A_728 : memref<1x128x128xf32, #tpu.memory_space<vmem>> -> memref<128x128xf32, #tpu.memory_space<vmem>>
    %dma_start3A_730 = arith.constant 1920 : i32
    %dma_start3A_731 = tpu.memref_slice %arg4[%mul3A_2, %dma_start3A_730] : memref<4096x3328xf32, #tpu.memory_space<hbm>> -> memref<128x128xf32, #tpu.memory_space<hbm>>
    %dma_start3A_732 = arith.constant 1920 : i32
    %dma_start3A_733 = tpu.memref_slice %arg4[%mul3A_2, %dma_start3A_732] : memref<4096x3328xf32, #tpu.memory_space<hbm>> -> memref<128x128xf32, #tpu.memory_space<hbm>>
    %dma_start3A_734 = arith.constant 0 : i32
    %dma_start3A_735 = arith.constant 0 : i32
    %dma_start3A_736 = tpu.memref_slice %arg8[%dma_start3A_725, %dma_start3A_734, %dma_start3A_735] : memref<6x128x128xf32, #tpu.memory_space<vmem>> -> memref<1x128x128xf32, #tpu.memory_space<vmem>>
    %dma_start3A_737 = tpu.memref_squeeze %dma_start3A_736 : memref<1x128x128xf32, #tpu.memory_space<vmem>> -> memref<128x128xf32, #tpu.memory_space<vmem>>
    tpu.enqueue_dma source(%dma_start3A_737 : memref<128x128xf32, #tpu.memory_space<vmem>>) target(%dma_start3A_733 : memref<128x128xf32, #tpu.memory_space<hbm>>) target_semaphore(%arg18 : memref<!tpu.dma_semaphore, #tpu.memory_space<semaphore_mem>>)
    %dma_wait3A_738 = arith.constant 1 : i32
    %dma_wait3A_739 = arith.constant 0 : i32
    %dma_wait3A_740 = arith.constant 0 : i32
    %dma_wait3A_741 = tpu.memref_slice %arg8[%dma_wait3A_738, %dma_wait3A_739, %dma_wait3A_740] : memref<6x128x128xf32, #tpu.memory_space<vmem>> -> memref<1x128x128xf32, #tpu.memory_space<vmem>>
    %dma_wait3A_742 = tpu.memref_squeeze %dma_wait3A_741 : memref<1x128x128xf32, #tpu.memory_space<vmem>> -> memref<128x128xf32, #tpu.memory_space<vmem>>
    %dma_wait3A_743 = arith.constant 1664 : i32
    %dma_wait3A_744 = tpu.memref_slice %arg4[%mul3A_2, %dma_wait3A_743] : memref<4096x3328xf32, #tpu.memory_space<hbm>> -> memref<128x128xf32, #tpu.memory_space<hbm>>
    %dma_wait3A_745 = arith.constant 1664 : i32
    %dma_wait3A_746 = tpu.memref_slice %arg4[%mul3A_2, %dma_wait3A_745] : memref<4096x3328xf32, #tpu.memory_space<hbm>> -> memref<128x128xf32, #tpu.memory_space<hbm>>
    %dma_wait3A_747 = arith.constant 0 : i32
    %dma_wait3A_748 = arith.constant 0 : i32
    %dma_wait3A_749 = tpu.memref_slice %arg8[%dma_wait3A_738, %dma_wait3A_747, %dma_wait3A_748] : memref<6x128x128xf32, #tpu.memory_space<vmem>> -> memref<1x128x128xf32, #tpu.memory_space<vmem>>
    %dma_wait3A_750 = tpu.memref_squeeze %dma_wait3A_749 : memref<1x128x128xf32, #tpu.memory_space<vmem>> -> memref<128x128xf32, #tpu.memory_space<vmem>>
    tpu.wait_dma2 semaphore(%arg16 : memref<!tpu.dma_semaphore, #tpu.memory_space<semaphore_mem>>) src(%dma_wait3A_750 : memref<128x128xf32, #tpu.memory_space<vmem>>) dst(%dma_wait3A_746 : memref<128x128xf32, #tpu.memory_space<hbm>>)
    %dma_start3A_751 = arith.constant 1 : i32
    %dma_start3A_752 = arith.constant 0 : i32
    %dma_start3A_753 = arith.constant 0 : i32
    %dma_start3A_754 = tpu.memref_slice %arg8[%dma_start3A_751, %dma_start3A_752, %dma_start3A_753] : memref<6x128x128xf32, #tpu.memory_space<vmem>> -> memref<1x128x128xf32, #tpu.memory_space<vmem>>
    %dma_start3A_755 = tpu.memref_squeeze %dma_start3A_754 : memref<1x128x128xf32, #tpu.memory_space<vmem>> -> memref<128x128xf32, #tpu.memory_space<vmem>>
    %dma_start3A_756 = arith.constant 2432 : i32
    %dma_start3A_757 = tpu.memref_slice %arg7[%dma_start3A_756] : memref<3328xi32, #tpu.memory_space<vmem>> -> memref<128xi32, #tpu.memory_space<vmem>>
    %dma_start3A_758 = arith.constant 0 : i32
    %dma_start3A_759 = arith.constant 0 : i32
    %dma_start3A_760 = tpu.memref_slice %arg5[%dma_start3A_758, %dma_start3A_759] : memref<2600x128xf32, #tpu.memory_space<vmem_shared>> -> memref<2600x128xf32, #tpu.memory_space<vmem_shared>>
    tpu.enqueue_indirect_dma source(%dma_start3A_760 : memref<2600x128xf32, #tpu.memory_space<vmem_shared>>) target(%dma_start3A_755 : memref<128x128xf32, #tpu.memory_space<vmem>>) offsets(%dma_start3A_757 : memref<128xi32, #tpu.memory_space<vmem>>) semaphore(%arg10 : memref<!tpu.dma_semaphore, #tpu.memory_space<semaphore_mem>>)
    %dma_wait3A_761 = arith.constant 4 : i32
    %dma_wait3A_762 = arith.constant 0 : i32
    %dma_wait3A_763 = arith.constant 0 : i32
    %dma_wait3A_764 = tpu.memref_slice %arg8[%dma_wait3A_761, %dma_wait3A_762, %dma_wait3A_763] : memref<6x128x128xf32, #tpu.memory_space<vmem>> -> memref<1x128x128xf32, #tpu.memory_space<vmem>>
    %dma_wait3A_765 = tpu.memref_squeeze %dma_wait3A_764 : memref<1x128x128xf32, #tpu.memory_space<vmem>> -> memref<128x128xf32, #tpu.memory_space<vmem>>
    %dma_wait3A_766 = arith.constant 2048 : i32
    %dma_wait3A_767 = tpu.memref_slice %arg7[%dma_wait3A_766] : memref<3328xi32, #tpu.memory_space<vmem>> -> memref<128xi32, #tpu.memory_space<vmem>>
    %dma_wait3A_768 = arith.constant 0 : i32
    %dma_wait3A_769 = arith.constant 0 : i32
    %dma_wait3A_770 = tpu.memref_slice %arg5[%dma_wait3A_768, %dma_wait3A_769] : memref<2600x128xf32, #tpu.memory_space<vmem_shared>> -> memref<2600x128xf32, #tpu.memory_space<vmem_shared>>
    tpu.wait_indirect_dma semaphore(%arg13 : memref<!tpu.dma_semaphore, #tpu.memory_space<semaphore_mem>>) src(%dma_wait3A_770 : memref<2600x128xf32, #tpu.memory_space<vmem_shared>>) dst(%dma_wait3A_765 : memref<128x128xf32, #tpu.memory_space<vmem>>)
    %dma_start3A_771 = arith.constant 4 : i32
    %dma_start3A_772 = arith.constant 0 : i32
    %dma_start3A_773 = arith.constant 0 : i32
    %dma_start3A_774 = tpu.memref_slice %arg8[%dma_start3A_771, %dma_start3A_772, %dma_start3A_773] : memref<6x128x128xf32, #tpu.memory_space<vmem>> -> memref<1x128x128xf32, #tpu.memory_space<vmem>>
    %dma_start3A_775 = tpu.memref_squeeze %dma_start3A_774 : memref<1x128x128xf32, #tpu.memory_space<vmem>> -> memref<128x128xf32, #tpu.memory_space<vmem>>
    %dma_start3A_776 = arith.constant 2048 : i32
    %dma_start3A_777 = tpu.memref_slice %arg4[%mul3A_2, %dma_start3A_776] : memref<4096x3328xf32, #tpu.memory_space<hbm>> -> memref<128x128xf32, #tpu.memory_space<hbm>>
    %dma_start3A_778 = arith.constant 2048 : i32
    %dma_start3A_779 = tpu.memref_slice %arg4[%mul3A_2, %dma_start3A_778] : memref<4096x3328xf32, #tpu.memory_space<hbm>> -> memref<128x128xf32, #tpu.memory_space<hbm>>
    %dma_start3A_780 = arith.constant 0 : i32
    %dma_start3A_781 = arith.constant 0 : i32
    %dma_start3A_782 = tpu.memref_slice %arg8[%dma_start3A_771, %dma_start3A_780, %dma_start3A_781] : memref<6x128x128xf32, #tpu.memory_space<vmem>> -> memref<1x128x128xf32, #tpu.memory_space<vmem>>
    %dma_start3A_783 = tpu.memref_squeeze %dma_start3A_782 : memref<1x128x128xf32, #tpu.memory_space<vmem>> -> memref<128x128xf32, #tpu.memory_space<vmem>>
    tpu.enqueue_dma source(%dma_start3A_783 : memref<128x128xf32, #tpu.memory_space<vmem>>) target(%dma_start3A_779 : memref<128x128xf32, #tpu.memory_space<hbm>>) target_semaphore(%arg19 : memref<!tpu.dma_semaphore, #tpu.memory_space<semaphore_mem>>)
    %dma_wait3A_784 = arith.constant 2 : i32
    %dma_wait3A_785 = arith.constant 0 : i32
    %dma_wait3A_786 = arith.constant 0 : i32
    %dma_wait3A_787 = tpu.memref_slice %arg8[%dma_wait3A_784, %dma_wait3A_785, %dma_wait3A_786] : memref<6x128x128xf32, #tpu.memory_space<vmem>> -> memref<1x128x128xf32, #tpu.memory_space<vmem>>
    %dma_wait3A_788 = tpu.memref_squeeze %dma_wait3A_787 : memref<1x128x128xf32, #tpu.memory_space<vmem>> -> memref<128x128xf32, #tpu.memory_space<vmem>>
    %dma_wait3A_789 = arith.constant 1792 : i32
    %dma_wait3A_790 = tpu.memref_slice %arg4[%mul3A_2, %dma_wait3A_789] : memref<4096x3328xf32, #tpu.memory_space<hbm>> -> memref<128x128xf32, #tpu.memory_space<hbm>>
    %dma_wait3A_791 = arith.constant 1792 : i32
    %dma_wait3A_792 = tpu.memref_slice %arg4[%mul3A_2, %dma_wait3A_791] : memref<4096x3328xf32, #tpu.memory_space<hbm>> -> memref<128x128xf32, #tpu.memory_space<hbm>>
    %dma_wait3A_793 = arith.constant 0 : i32
    %dma_wait3A_794 = arith.constant 0 : i32
    %dma_wait3A_795 = tpu.memref_slice %arg8[%dma_wait3A_784, %dma_wait3A_793, %dma_wait3A_794] : memref<6x128x128xf32, #tpu.memory_space<vmem>> -> memref<1x128x128xf32, #tpu.memory_space<vmem>>
    %dma_wait3A_796 = tpu.memref_squeeze %dma_wait3A_795 : memref<1x128x128xf32, #tpu.memory_space<vmem>> -> memref<128x128xf32, #tpu.memory_space<vmem>>
    tpu.wait_dma2 semaphore(%arg17 : memref<!tpu.dma_semaphore, #tpu.memory_space<semaphore_mem>>) src(%dma_wait3A_796 : memref<128x128xf32, #tpu.memory_space<vmem>>) dst(%dma_wait3A_792 : memref<128x128xf32, #tpu.memory_space<hbm>>)
    %dma_start3A_797 = arith.constant 2 : i32
    %dma_start3A_798 = arith.constant 0 : i32
    %dma_start3A_799 = arith.constant 0 : i32
    %dma_start3A_800 = tpu.memref_slice %arg8[%dma_start3A_797, %dma_start3A_798, %dma_start3A_799] : memref<6x128x128xf32, #tpu.memory_space<vmem>> -> memref<1x128x128xf32, #tpu.memory_space<vmem>>
    %dma_start3A_801 = tpu.memref_squeeze %dma_start3A_800 : memref<1x128x128xf32, #tpu.memory_space<vmem>> -> memref<128x128xf32, #tpu.memory_space<vmem>>
    %dma_start3A_802 = arith.constant 2560 : i32
    %dma_start3A_803 = tpu.memref_slice %arg7[%dma_start3A_802] : memref<3328xi32, #tpu.memory_space<vmem>> -> memref<128xi32, #tpu.memory_space<vmem>>
    %dma_start3A_804 = arith.constant 0 : i32
    %dma_start3A_805 = arith.constant 0 : i32
    %dma_start3A_806 = tpu.memref_slice %arg5[%dma_start3A_804, %dma_start3A_805] : memref<2600x128xf32, #tpu.memory_space<vmem_shared>> -> memref<2600x128xf32, #tpu.memory_space<vmem_shared>>
    tpu.enqueue_indirect_dma source(%dma_start3A_806 : memref<2600x128xf32, #tpu.memory_space<vmem_shared>>) target(%dma_start3A_801 : memref<128x128xf32, #tpu.memory_space<vmem>>) offsets(%dma_start3A_803 : memref<128xi32, #tpu.memory_space<vmem>>) semaphore(%arg11 : memref<!tpu.dma_semaphore, #tpu.memory_space<semaphore_mem>>)
    %dma_wait3A_807 = arith.constant 5 : i32
    %dma_wait3A_808 = arith.constant 0 : i32
    %dma_wait3A_809 = arith.constant 0 : i32
    %dma_wait3A_810 = tpu.memref_slice %arg8[%dma_wait3A_807, %dma_wait3A_808, %dma_wait3A_809] : memref<6x128x128xf32, #tpu.memory_space<vmem>> -> memref<1x128x128xf32, #tpu.memory_space<vmem>>
    %dma_wait3A_811 = tpu.memref_squeeze %dma_wait3A_810 : memref<1x128x128xf32, #tpu.memory_space<vmem>> -> memref<128x128xf32, #tpu.memory_space<vmem>>
    %dma_wait3A_812 = arith.constant 2176 : i32
    %dma_wait3A_813 = tpu.memref_slice %arg7[%dma_wait3A_812] : memref<3328xi32, #tpu.memory_space<vmem>> -> memref<128xi32, #tpu.memory_space<vmem>>
    %dma_wait3A_814 = arith.constant 0 : i32
    %dma_wait3A_815 = arith.constant 0 : i32
    %dma_wait3A_816 = tpu.memref_slice %arg5[%dma_wait3A_814, %dma_wait3A_815] : memref<2600x128xf32, #tpu.memory_space<vmem_shared>> -> memref<2600x128xf32, #tpu.memory_space<vmem_shared>>
    tpu.wait_indirect_dma semaphore(%arg14 : memref<!tpu.dma_semaphore, #tpu.memory_space<semaphore_mem>>) src(%dma_wait3A_816 : memref<2600x128xf32, #tpu.memory_space<vmem_shared>>) dst(%dma_wait3A_811 : memref<128x128xf32, #tpu.memory_space<vmem>>)
    %dma_start3A_817 = arith.constant 5 : i32
    %dma_start3A_818 = arith.constant 0 : i32
    %dma_start3A_819 = arith.constant 0 : i32
    %dma_start3A_820 = tpu.memref_slice %arg8[%dma_start3A_817, %dma_start3A_818, %dma_start3A_819] : memref<6x128x128xf32, #tpu.memory_space<vmem>> -> memref<1x128x128xf32, #tpu.memory_space<vmem>>
    %dma_start3A_821 = tpu.memref_squeeze %dma_start3A_820 : memref<1x128x128xf32, #tpu.memory_space<vmem>> -> memref<128x128xf32, #tpu.memory_space<vmem>>
    %dma_start3A_822 = arith.constant 2176 : i32
    %dma_start3A_823 = tpu.memref_slice %arg4[%mul3A_2, %dma_start3A_822] : memref<4096x3328xf32, #tpu.memory_space<hbm>> -> memref<128x128xf32, #tpu.memory_space<hbm>>
    %dma_start3A_824 = arith.constant 2176 : i32
    %dma_start3A_825 = tpu.memref_slice %arg4[%mul3A_2, %dma_start3A_824] : memref<4096x3328xf32, #tpu.memory_space<hbm>> -> memref<128x128xf32, #tpu.memory_space<hbm>>
    %dma_start3A_826 = arith.constant 0 : i32
    %dma_start3A_827 = arith.constant 0 : i32
    %dma_start3A_828 = tpu.memref_slice %arg8[%dma_start3A_817, %dma_start3A_826, %dma_start3A_827] : memref<6x128x128xf32, #tpu.memory_space<vmem>> -> memref<1x128x128xf32, #tpu.memory_space<vmem>>
    %dma_start3A_829 = tpu.memref_squeeze %dma_start3A_828 : memref<1x128x128xf32, #tpu.memory_space<vmem>> -> memref<128x128xf32, #tpu.memory_space<vmem>>
    tpu.enqueue_dma source(%dma_start3A_829 : memref<128x128xf32, #tpu.memory_space<vmem>>) target(%dma_start3A_825 : memref<128x128xf32, #tpu.memory_space<hbm>>) target_semaphore(%arg20 : memref<!tpu.dma_semaphore, #tpu.memory_space<semaphore_mem>>)
    %dma_wait3A_830 = arith.constant 3 : i32
    %dma_wait3A_831 = arith.constant 0 : i32
    %dma_wait3A_832 = arith.constant 0 : i32
    %dma_wait3A_833 = tpu.memref_slice %arg8[%dma_wait3A_830, %dma_wait3A_831, %dma_wait3A_832] : memref<6x128x128xf32, #tpu.memory_space<vmem>> -> memref<1x128x128xf32, #tpu.memory_space<vmem>>
    %dma_wait3A_834 = tpu.memref_squeeze %dma_wait3A_833 : memref<1x128x128xf32, #tpu.memory_space<vmem>> -> memref<128x128xf32, #tpu.memory_space<vmem>>
    %dma_wait3A_835 = arith.constant 1920 : i32
    %dma_wait3A_836 = tpu.memref_slice %arg4[%mul3A_2, %dma_wait3A_835] : memref<4096x3328xf32, #tpu.memory_space<hbm>> -> memref<128x128xf32, #tpu.memory_space<hbm>>
    %dma_wait3A_837 = arith.constant 1920 : i32
    %dma_wait3A_838 = tpu.memref_slice %arg4[%mul3A_2, %dma_wait3A_837] : memref<4096x3328xf32, #tpu.memory_space<hbm>> -> memref<128x128xf32, #tpu.memory_space<hbm>>
    %dma_wait3A_839 = arith.constant 0 : i32
    %dma_wait3A_840 = arith.constant 0 : i32
    %dma_wait3A_841 = tpu.memref_slice %arg8[%dma_wait3A_830, %dma_wait3A_839, %dma_wait3A_840] : memref<6x128x128xf32, #tpu.memory_space<vmem>> -> memref<1x128x128xf32, #tpu.memory_space<vmem>>
    %dma_wait3A_842 = tpu.memref_squeeze %dma_wait3A_841 : memref<1x128x128xf32, #tpu.memory_space<vmem>> -> memref<128x128xf32, #tpu.memory_space<vmem>>
    tpu.wait_dma2 semaphore(%arg18 : memref<!tpu.dma_semaphore, #tpu.memory_space<semaphore_mem>>) src(%dma_wait3A_842 : memref<128x128xf32, #tpu.memory_space<vmem>>) dst(%dma_wait3A_838 : memref<128x128xf32, #tpu.memory_space<hbm>>)
    %dma_start3A_843 = arith.constant 3 : i32
    %dma_start3A_844 = arith.constant 0 : i32
    %dma_start3A_845 = arith.constant 0 : i32
    %dma_start3A_846 = tpu.memref_slice %arg8[%dma_start3A_843, %dma_start3A_844, %dma_start3A_845] : memref<6x128x128xf32, #tpu.memory_space<vmem>> -> memref<1x128x128xf32, #tpu.memory_space<vmem>>
    %dma_start3A_847 = tpu.memref_squeeze %dma_start3A_846 : memref<1x128x128xf32, #tpu.memory_space<vmem>> -> memref<128x128xf32, #tpu.memory_space<vmem>>
    %dma_start3A_848 = arith.constant 2688 : i32
    %dma_start3A_849 = tpu.memref_slice %arg7[%dma_start3A_848] : memref<3328xi32, #tpu.memory_space<vmem>> -> memref<128xi32, #tpu.memory_space<vmem>>
    %dma_start3A_850 = arith.constant 0 : i32
    %dma_start3A_851 = arith.constant 0 : i32
    %dma_start3A_852 = tpu.memref_slice %arg5[%dma_start3A_850, %dma_start3A_851] : memref<2600x128xf32, #tpu.memory_space<vmem_shared>> -> memref<2600x128xf32, #tpu.memory_space<vmem_shared>>
    tpu.enqueue_indirect_dma source(%dma_start3A_852 : memref<2600x128xf32, #tpu.memory_space<vmem_shared>>) target(%dma_start3A_847 : memref<128x128xf32, #tpu.memory_space<vmem>>) offsets(%dma_start3A_849 : memref<128xi32, #tpu.memory_space<vmem>>) semaphore(%arg12 : memref<!tpu.dma_semaphore, #tpu.memory_space<semaphore_mem>>)
    %dma_wait3A_853 = arith.constant 0 : i32
    %dma_wait3A_854 = arith.constant 0 : i32
    %dma_wait3A_855 = arith.constant 0 : i32
    %dma_wait3A_856 = tpu.memref_slice %arg8[%dma_wait3A_853, %dma_wait3A_854, %dma_wait3A_855] : memref<6x128x128xf32, #tpu.memory_space<vmem>> -> memref<1x128x128xf32, #tpu.memory_space<vmem>>
    %dma_wait3A_857 = tpu.memref_squeeze %dma_wait3A_856 : memref<1x128x128xf32, #tpu.memory_space<vmem>> -> memref<128x128xf32, #tpu.memory_space<vmem>>
    %dma_wait3A_858 = arith.constant 2304 : i32
    %dma_wait3A_859 = tpu.memref_slice %arg7[%dma_wait3A_858] : memref<3328xi32, #tpu.memory_space<vmem>> -> memref<128xi32, #tpu.memory_space<vmem>>
    %dma_wait3A_860 = arith.constant 0 : i32
    %dma_wait3A_861 = arith.constant 0 : i32
    %dma_wait3A_862 = tpu.memref_slice %arg5[%dma_wait3A_860, %dma_wait3A_861] : memref<2600x128xf32, #tpu.memory_space<vmem_shared>> -> memref<2600x128xf32, #tpu.memory_space<vmem_shared>>
    tpu.wait_indirect_dma semaphore(%arg9 : memref<!tpu.dma_semaphore, #tpu.memory_space<semaphore_mem>>) src(%dma_wait3A_862 : memref<2600x128xf32, #tpu.memory_space<vmem_shared>>) dst(%dma_wait3A_857 : memref<128x128xf32, #tpu.memory_space<vmem>>)
    %dma_start3A_863 = arith.constant 0 : i32
    %dma_start3A_864 = arith.constant 0 : i32
    %dma_start3A_865 = arith.constant 0 : i32
    %dma_start3A_866 = tpu.memref_slice %arg8[%dma_start3A_863, %dma_start3A_864, %dma_start3A_865] : memref<6x128x128xf32, #tpu.memory_space<vmem>> -> memref<1x128x128xf32, #tpu.memory_space<vmem>>
    %dma_start3A_867 = tpu.memref_squeeze %dma_start3A_866 : memref<1x128x128xf32, #tpu.memory_space<vmem>> -> memref<128x128xf32, #tpu.memory_space<vmem>>
    %dma_start3A_868 = arith.constant 2304 : i32
    %dma_start3A_869 = tpu.memref_slice %arg4[%mul3A_2, %dma_start3A_868] : memref<4096x3328xf32, #tpu.memory_space<hbm>> -> memref<128x128xf32, #tpu.memory_space<hbm>>
    %dma_start3A_870 = arith.constant 2304 : i32
    %dma_start3A_871 = tpu.memref_slice %arg4[%mul3A_2, %dma_start3A_870] : memref<4096x3328xf32, #tpu.memory_space<hbm>> -> memref<128x128xf32, #tpu.memory_space<hbm>>
    %dma_start3A_872 = arith.constant 0 : i32
    %dma_start3A_873 = arith.constant 0 : i32
    %dma_start3A_874 = tpu.memref_slice %arg8[%dma_start3A_863, %dma_start3A_872, %dma_start3A_873] : memref<6x128x128xf32, #tpu.memory_space<vmem>> -> memref<1x128x128xf32, #tpu.memory_space<vmem>>
    %dma_start3A_875 = tpu.memref_squeeze %dma_start3A_874 : memref<1x128x128xf32, #tpu.memory_space<vmem>> -> memref<128x128xf32, #tpu.memory_space<vmem>>
    tpu.enqueue_dma source(%dma_start3A_875 : memref<128x128xf32, #tpu.memory_space<vmem>>) target(%dma_start3A_871 : memref<128x128xf32, #tpu.memory_space<hbm>>) target_semaphore(%arg15 : memref<!tpu.dma_semaphore, #tpu.memory_space<semaphore_mem>>)
    %dma_wait3A_876 = arith.constant 4 : i32
    %dma_wait3A_877 = arith.constant 0 : i32
    %dma_wait3A_878 = arith.constant 0 : i32
    %dma_wait3A_879 = tpu.memref_slice %arg8[%dma_wait3A_876, %dma_wait3A_877, %dma_wait3A_878] : memref<6x128x128xf32, #tpu.memory_space<vmem>> -> memref<1x128x128xf32, #tpu.memory_space<vmem>>
    %dma_wait3A_880 = tpu.memref_squeeze %dma_wait3A_879 : memref<1x128x128xf32, #tpu.memory_space<vmem>> -> memref<128x128xf32, #tpu.memory_space<vmem>>
    %dma_wait3A_881 = arith.constant 2048 : i32
    %dma_wait3A_882 = tpu.memref_slice %arg4[%mul3A_2, %dma_wait3A_881] : memref<4096x3328xf32, #tpu.memory_space<hbm>> -> memref<128x128xf32, #tpu.memory_space<hbm>>
    %dma_wait3A_883 = arith.constant 2048 : i32
    %dma_wait3A_884 = tpu.memref_slice %arg4[%mul3A_2, %dma_wait3A_883] : memref<4096x3328xf32, #tpu.memory_space<hbm>> -> memref<128x128xf32, #tpu.memory_space<hbm>>
    %dma_wait3A_885 = arith.constant 0 : i32
    %dma_wait3A_886 = arith.constant 0 : i32
    %dma_wait3A_887 = tpu.memref_slice %arg8[%dma_wait3A_876, %dma_wait3A_885, %dma_wait3A_886] : memref<6x128x128xf32, #tpu.memory_space<vmem>> -> memref<1x128x128xf32, #tpu.memory_space<vmem>>
    %dma_wait3A_888 = tpu.memref_squeeze %dma_wait3A_887 : memref<1x128x128xf32, #tpu.memory_space<vmem>> -> memref<128x128xf32, #tpu.memory_space<vmem>>
    tpu.wait_dma2 semaphore(%arg19 : memref<!tpu.dma_semaphore, #tpu.memory_space<semaphore_mem>>) src(%dma_wait3A_888 : memref<128x128xf32, #tpu.memory_space<vmem>>) dst(%dma_wait3A_884 : memref<128x128xf32, #tpu.memory_space<hbm>>)
    %dma_start3A_889 = arith.constant 4 : i32
    %dma_start3A_890 = arith.constant 0 : i32
    %dma_start3A_891 = arith.constant 0 : i32
    %dma_start3A_892 = tpu.memref_slice %arg8[%dma_start3A_889, %dma_start3A_890, %dma_start3A_891] : memref<6x128x128xf32, #tpu.memory_space<vmem>> -> memref<1x128x128xf32, #tpu.memory_space<vmem>>
    %dma_start3A_893 = tpu.memref_squeeze %dma_start3A_892 : memref<1x128x128xf32, #tpu.memory_space<vmem>> -> memref<128x128xf32, #tpu.memory_space<vmem>>
    %dma_start3A_894 = arith.constant 2816 : i32
    %dma_start3A_895 = tpu.memref_slice %arg7[%dma_start3A_894] : memref<3328xi32, #tpu.memory_space<vmem>> -> memref<128xi32, #tpu.memory_space<vmem>>
    %dma_start3A_896 = arith.constant 0 : i32
    %dma_start3A_897 = arith.constant 0 : i32
    %dma_start3A_898 = tpu.memref_slice %arg5[%dma_start3A_896, %dma_start3A_897] : memref<2600x128xf32, #tpu.memory_space<vmem_shared>> -> memref<2600x128xf32, #tpu.memory_space<vmem_shared>>
    tpu.enqueue_indirect_dma source(%dma_start3A_898 : memref<2600x128xf32, #tpu.memory_space<vmem_shared>>) target(%dma_start3A_893 : memref<128x128xf32, #tpu.memory_space<vmem>>) offsets(%dma_start3A_895 : memref<128xi32, #tpu.memory_space<vmem>>) semaphore(%arg13 : memref<!tpu.dma_semaphore, #tpu.memory_space<semaphore_mem>>)
    %dma_wait3A_899 = arith.constant 1 : i32
    %dma_wait3A_900 = arith.constant 0 : i32
    %dma_wait3A_901 = arith.constant 0 : i32
    %dma_wait3A_902 = tpu.memref_slice %arg8[%dma_wait3A_899, %dma_wait3A_900, %dma_wait3A_901] : memref<6x128x128xf32, #tpu.memory_space<vmem>> -> memref<1x128x128xf32, #tpu.memory_space<vmem>>
    %dma_wait3A_903 = tpu.memref_squeeze %dma_wait3A_902 : memref<1x128x128xf32, #tpu.memory_space<vmem>> -> memref<128x128xf32, #tpu.memory_space<vmem>>
    %dma_wait3A_904 = arith.constant 2432 : i32
    %dma_wait3A_905 = tpu.memref_slice %arg7[%dma_wait3A_904] : memref<3328xi32, #tpu.memory_space<vmem>> -> memref<128xi32, #tpu.memory_space<vmem>>
    %dma_wait3A_906 = arith.constant 0 : i32
    %dma_wait3A_907 = arith.constant 0 : i32
    %dma_wait3A_908 = tpu.memref_slice %arg5[%dma_wait3A_906, %dma_wait3A_907] : memref<2600x128xf32, #tpu.memory_space<vmem_shared>> -> memref<2600x128xf32, #tpu.memory_space<vmem_shared>>
    tpu.wait_indirect_dma semaphore(%arg10 : memref<!tpu.dma_semaphore, #tpu.memory_space<semaphore_mem>>) src(%dma_wait3A_908 : memref<2600x128xf32, #tpu.memory_space<vmem_shared>>) dst(%dma_wait3A_903 : memref<128x128xf32, #tpu.memory_space<vmem>>)
    %dma_start3A_909 = arith.constant 1 : i32
    %dma_start3A_910 = arith.constant 0 : i32
    %dma_start3A_911 = arith.constant 0 : i32
    %dma_start3A_912 = tpu.memref_slice %arg8[%dma_start3A_909, %dma_start3A_910, %dma_start3A_911] : memref<6x128x128xf32, #tpu.memory_space<vmem>> -> memref<1x128x128xf32, #tpu.memory_space<vmem>>
    %dma_start3A_913 = tpu.memref_squeeze %dma_start3A_912 : memref<1x128x128xf32, #tpu.memory_space<vmem>> -> memref<128x128xf32, #tpu.memory_space<vmem>>
    %dma_start3A_914 = arith.constant 2432 : i32
    %dma_start3A_915 = tpu.memref_slice %arg4[%mul3A_2, %dma_start3A_914] : memref<4096x3328xf32, #tpu.memory_space<hbm>> -> memref<128x128xf32, #tpu.memory_space<hbm>>
    %dma_start3A_916 = arith.constant 2432 : i32
    %dma_start3A_917 = tpu.memref_slice %arg4[%mul3A_2, %dma_start3A_916] : memref<4096x3328xf32, #tpu.memory_space<hbm>> -> memref<128x128xf32, #tpu.memory_space<hbm>>
    %dma_start3A_918 = arith.constant 0 : i32
    %dma_start3A_919 = arith.constant 0 : i32
    %dma_start3A_920 = tpu.memref_slice %arg8[%dma_start3A_909, %dma_start3A_918, %dma_start3A_919] : memref<6x128x128xf32, #tpu.memory_space<vmem>> -> memref<1x128x128xf32, #tpu.memory_space<vmem>>
    %dma_start3A_921 = tpu.memref_squeeze %dma_start3A_920 : memref<1x128x128xf32, #tpu.memory_space<vmem>> -> memref<128x128xf32, #tpu.memory_space<vmem>>
    tpu.enqueue_dma source(%dma_start3A_921 : memref<128x128xf32, #tpu.memory_space<vmem>>) target(%dma_start3A_917 : memref<128x128xf32, #tpu.memory_space<hbm>>) target_semaphore(%arg16 : memref<!tpu.dma_semaphore, #tpu.memory_space<semaphore_mem>>)
    %dma_wait3A_922 = arith.constant 5 : i32
    %dma_wait3A_923 = arith.constant 0 : i32
    %dma_wait3A_924 = arith.constant 0 : i32
    %dma_wait3A_925 = tpu.memref_slice %arg8[%dma_wait3A_922, %dma_wait3A_923, %dma_wait3A_924] : memref<6x128x128xf32, #tpu.memory_space<vmem>> -> memref<1x128x128xf32, #tpu.memory_space<vmem>>
    %dma_wait3A_926 = tpu.memref_squeeze %dma_wait3A_925 : memref<1x128x128xf32, #tpu.memory_space<vmem>> -> memref<128x128xf32, #tpu.memory_space<vmem>>
    %dma_wait3A_927 = arith.constant 2176 : i32
    %dma_wait3A_928 = tpu.memref_slice %arg4[%mul3A_2, %dma_wait3A_927] : memref<4096x3328xf32, #tpu.memory_space<hbm>> -> memref<128x128xf32, #tpu.memory_space<hbm>>
    %dma_wait3A_929 = arith.constant 2176 : i32
    %dma_wait3A_930 = tpu.memref_slice %arg4[%mul3A_2, %dma_wait3A_929] : memref<4096x3328xf32, #tpu.memory_space<hbm>> -> memref<128x128xf32, #tpu.memory_space<hbm>>
    %dma_wait3A_931 = arith.constant 0 : i32
    %dma_wait3A_932 = arith.constant 0 : i32
    %dma_wait3A_933 = tpu.memref_slice %arg8[%dma_wait3A_922, %dma_wait3A_931, %dma_wait3A_932] : memref<6x128x128xf32, #tpu.memory_space<vmem>> -> memref<1x128x128xf32, #tpu.memory_space<vmem>>
    %dma_wait3A_934 = tpu.memref_squeeze %dma_wait3A_933 : memref<1x128x128xf32, #tpu.memory_space<vmem>> -> memref<128x128xf32, #tpu.memory_space<vmem>>
    tpu.wait_dma2 semaphore(%arg20 : memref<!tpu.dma_semaphore, #tpu.memory_space<semaphore_mem>>) src(%dma_wait3A_934 : memref<128x128xf32, #tpu.memory_space<vmem>>) dst(%dma_wait3A_930 : memref<128x128xf32, #tpu.memory_space<hbm>>)
    %dma_start3A_935 = arith.constant 5 : i32
    %dma_start3A_936 = arith.constant 0 : i32
    %dma_start3A_937 = arith.constant 0 : i32
    %dma_start3A_938 = tpu.memref_slice %arg8[%dma_start3A_935, %dma_start3A_936, %dma_start3A_937] : memref<6x128x128xf32, #tpu.memory_space<vmem>> -> memref<1x128x128xf32, #tpu.memory_space<vmem>>
    %dma_start3A_939 = tpu.memref_squeeze %dma_start3A_938 : memref<1x128x128xf32, #tpu.memory_space<vmem>> -> memref<128x128xf32, #tpu.memory_space<vmem>>
    %dma_start3A_940 = arith.constant 2944 : i32
    %dma_start3A_941 = tpu.memref_slice %arg7[%dma_start3A_940] : memref<3328xi32, #tpu.memory_space<vmem>> -> memref<128xi32, #tpu.memory_space<vmem>>
    %dma_start3A_942 = arith.constant 0 : i32
    %dma_start3A_943 = arith.constant 0 : i32
    %dma_start3A_944 = tpu.memref_slice %arg5[%dma_start3A_942, %dma_start3A_943] : memref<2600x128xf32, #tpu.memory_space<vmem_shared>> -> memref<2600x128xf32, #tpu.memory_space<vmem_shared>>
    tpu.enqueue_indirect_dma source(%dma_start3A_944 : memref<2600x128xf32, #tpu.memory_space<vmem_shared>>) target(%dma_start3A_939 : memref<128x128xf32, #tpu.memory_space<vmem>>) offsets(%dma_start3A_941 : memref<128xi32, #tpu.memory_space<vmem>>) semaphore(%arg14 : memref<!tpu.dma_semaphore, #tpu.memory_space<semaphore_mem>>)
    %dma_wait3A_945 = arith.constant 2 : i32
    %dma_wait3A_946 = arith.constant 0 : i32
    %dma_wait3A_947 = arith.constant 0 : i32
    %dma_wait3A_948 = tpu.memref_slice %arg8[%dma_wait3A_945, %dma_wait3A_946, %dma_wait3A_947] : memref<6x128x128xf32, #tpu.memory_space<vmem>> -> memref<1x128x128xf32, #tpu.memory_space<vmem>>
    %dma_wait3A_949 = tpu.memref_squeeze %dma_wait3A_948 : memref<1x128x128xf32, #tpu.memory_space<vmem>> -> memref<128x128xf32, #tpu.memory_space<vmem>>
    %dma_wait3A_950 = arith.constant 2560 : i32
    %dma_wait3A_951 = tpu.memref_slice %arg7[%dma_wait3A_950] : memref<3328xi32, #tpu.memory_space<vmem>> -> memref<128xi32, #tpu.memory_space<vmem>>
    %dma_wait3A_952 = arith.constant 0 : i32
    %dma_wait3A_953 = arith.constant 0 : i32
    %dma_wait3A_954 = tpu.memref_slice %arg5[%dma_wait3A_952, %dma_wait3A_953] : memref<2600x128xf32, #tpu.memory_space<vmem_shared>> -> memref<2600x128xf32, #tpu.memory_space<vmem_shared>>
    tpu.wait_indirect_dma semaphore(%arg11 : memref<!tpu.dma_semaphore, #tpu.memory_space<semaphore_mem>>) src(%dma_wait3A_954 : memref<2600x128xf32, #tpu.memory_space<vmem_shared>>) dst(%dma_wait3A_949 : memref<128x128xf32, #tpu.memory_space<vmem>>)
    %dma_start3A_955 = arith.constant 2 : i32
    %dma_start3A_956 = arith.constant 0 : i32
    %dma_start3A_957 = arith.constant 0 : i32
    %dma_start3A_958 = tpu.memref_slice %arg8[%dma_start3A_955, %dma_start3A_956, %dma_start3A_957] : memref<6x128x128xf32, #tpu.memory_space<vmem>> -> memref<1x128x128xf32, #tpu.memory_space<vmem>>
    %dma_start3A_959 = tpu.memref_squeeze %dma_start3A_958 : memref<1x128x128xf32, #tpu.memory_space<vmem>> -> memref<128x128xf32, #tpu.memory_space<vmem>>
    %dma_start3A_960 = arith.constant 2560 : i32
    %dma_start3A_961 = tpu.memref_slice %arg4[%mul3A_2, %dma_start3A_960] : memref<4096x3328xf32, #tpu.memory_space<hbm>> -> memref<128x128xf32, #tpu.memory_space<hbm>>
    %dma_start3A_962 = arith.constant 2560 : i32
    %dma_start3A_963 = tpu.memref_slice %arg4[%mul3A_2, %dma_start3A_962] : memref<4096x3328xf32, #tpu.memory_space<hbm>> -> memref<128x128xf32, #tpu.memory_space<hbm>>
    %dma_start3A_964 = arith.constant 0 : i32
    %dma_start3A_965 = arith.constant 0 : i32
    %dma_start3A_966 = tpu.memref_slice %arg8[%dma_start3A_955, %dma_start3A_964, %dma_start3A_965] : memref<6x128x128xf32, #tpu.memory_space<vmem>> -> memref<1x128x128xf32, #tpu.memory_space<vmem>>
    %dma_start3A_967 = tpu.memref_squeeze %dma_start3A_966 : memref<1x128x128xf32, #tpu.memory_space<vmem>> -> memref<128x128xf32, #tpu.memory_space<vmem>>
    tpu.enqueue_dma source(%dma_start3A_967 : memref<128x128xf32, #tpu.memory_space<vmem>>) target(%dma_start3A_963 : memref<128x128xf32, #tpu.memory_space<hbm>>) target_semaphore(%arg17 : memref<!tpu.dma_semaphore, #tpu.memory_space<semaphore_mem>>)
    %dma_wait3A_968 = arith.constant 0 : i32
    %dma_wait3A_969 = arith.constant 0 : i32
    %dma_wait3A_970 = arith.constant 0 : i32
    %dma_wait3A_971 = tpu.memref_slice %arg8[%dma_wait3A_968, %dma_wait3A_969, %dma_wait3A_970] : memref<6x128x128xf32, #tpu.memory_space<vmem>> -> memref<1x128x128xf32, #tpu.memory_space<vmem>>
    %dma_wait3A_972 = tpu.memref_squeeze %dma_wait3A_971 : memref<1x128x128xf32, #tpu.memory_space<vmem>> -> memref<128x128xf32, #tpu.memory_space<vmem>>
    %dma_wait3A_973 = arith.constant 2304 : i32
    %dma_wait3A_974 = tpu.memref_slice %arg4[%mul3A_2, %dma_wait3A_973] : memref<4096x3328xf32, #tpu.memory_space<hbm>> -> memref<128x128xf32, #tpu.memory_space<hbm>>
    %dma_wait3A_975 = arith.constant 2304 : i32
    %dma_wait3A_976 = tpu.memref_slice %arg4[%mul3A_2, %dma_wait3A_975] : memref<4096x3328xf32, #tpu.memory_space<hbm>> -> memref<128x128xf32, #tpu.memory_space<hbm>>
    %dma_wait3A_977 = arith.constant 0 : i32
    %dma_wait3A_978 = arith.constant 0 : i32
    %dma_wait3A_979 = tpu.memref_slice %arg8[%dma_wait3A_968, %dma_wait3A_977, %dma_wait3A_978] : memref<6x128x128xf32, #tpu.memory_space<vmem>> -> memref<1x128x128xf32, #tpu.memory_space<vmem>>
    %dma_wait3A_980 = tpu.memref_squeeze %dma_wait3A_979 : memref<1x128x128xf32, #tpu.memory_space<vmem>> -> memref<128x128xf32, #tpu.memory_space<vmem>>
    tpu.wait_dma2 semaphore(%arg15 : memref<!tpu.dma_semaphore, #tpu.memory_space<semaphore_mem>>) src(%dma_wait3A_980 : memref<128x128xf32, #tpu.memory_space<vmem>>) dst(%dma_wait3A_976 : memref<128x128xf32, #tpu.memory_space<hbm>>)
    %dma_start3A_981 = arith.constant 0 : i32
    %dma_start3A_982 = arith.constant 0 : i32
    %dma_start3A_983 = arith.constant 0 : i32
    %dma_start3A_984 = tpu.memref_slice %arg8[%dma_start3A_981, %dma_start3A_982, %dma_start3A_983] : memref<6x128x128xf32, #tpu.memory_space<vmem>> -> memref<1x128x128xf32, #tpu.memory_space<vmem>>
    %dma_start3A_985 = tpu.memref_squeeze %dma_start3A_984 : memref<1x128x128xf32, #tpu.memory_space<vmem>> -> memref<128x128xf32, #tpu.memory_space<vmem>>
    %dma_start3A_986 = arith.constant 3072 : i32
    %dma_start3A_987 = tpu.memref_slice %arg7[%dma_start3A_986] : memref<3328xi32, #tpu.memory_space<vmem>> -> memref<128xi32, #tpu.memory_space<vmem>>
    %dma_start3A_988 = arith.constant 0 : i32
    %dma_start3A_989 = arith.constant 0 : i32
    %dma_start3A_990 = tpu.memref_slice %arg5[%dma_start3A_988, %dma_start3A_989] : memref<2600x128xf32, #tpu.memory_space<vmem_shared>> -> memref<2600x128xf32, #tpu.memory_space<vmem_shared>>
    tpu.enqueue_indirect_dma source(%dma_start3A_990 : memref<2600x128xf32, #tpu.memory_space<vmem_shared>>) target(%dma_start3A_985 : memref<128x128xf32, #tpu.memory_space<vmem>>) offsets(%dma_start3A_987 : memref<128xi32, #tpu.memory_space<vmem>>) semaphore(%arg9 : memref<!tpu.dma_semaphore, #tpu.memory_space<semaphore_mem>>)
    %dma_wait3A_991 = arith.constant 3 : i32
    %dma_wait3A_992 = arith.constant 0 : i32
    %dma_wait3A_993 = arith.constant 0 : i32
    %dma_wait3A_994 = tpu.memref_slice %arg8[%dma_wait3A_991, %dma_wait3A_992, %dma_wait3A_993] : memref<6x128x128xf32, #tpu.memory_space<vmem>> -> memref<1x128x128xf32, #tpu.memory_space<vmem>>
    %dma_wait3A_995 = tpu.memref_squeeze %dma_wait3A_994 : memref<1x128x128xf32, #tpu.memory_space<vmem>> -> memref<128x128xf32, #tpu.memory_space<vmem>>
    %dma_wait3A_996 = arith.constant 2688 : i32
    %dma_wait3A_997 = tpu.memref_slice %arg7[%dma_wait3A_996] : memref<3328xi32, #tpu.memory_space<vmem>> -> memref<128xi32, #tpu.memory_space<vmem>>
    %dma_wait3A_998 = arith.constant 0 : i32
    %dma_wait3A_999 = arith.constant 0 : i32
    %dma_wait3A_1000 = tpu.memref_slice %arg5[%dma_wait3A_998, %dma_wait3A_999] : memref<2600x128xf32, #tpu.memory_space<vmem_shared>> -> memref<2600x128xf32, #tpu.memory_space<vmem_shared>>
    tpu.wait_indirect_dma semaphore(%arg12 : memref<!tpu.dma_semaphore, #tpu.memory_space<semaphore_mem>>) src(%dma_wait3A_1000 : memref<2600x128xf32, #tpu.memory_space<vmem_shared>>) dst(%dma_wait3A_995 : memref<128x128xf32, #tpu.memory_space<vmem>>)
    %dma_start3A_1001 = arith.constant 3 : i32
    %dma_start3A_1002 = arith.constant 0 : i32
    %dma_start3A_1003 = arith.constant 0 : i32
    %dma_start3A_1004 = tpu.memref_slice %arg8[%dma_start3A_1001, %dma_start3A_1002, %dma_start3A_1003] : memref<6x128x128xf32, #tpu.memory_space<vmem>> -> memref<1x128x128xf32, #tpu.memory_space<vmem>>
    %dma_start3A_1005 = tpu.memref_squeeze %dma_start3A_1004 : memref<1x128x128xf32, #tpu.memory_space<vmem>> -> memref<128x128xf32, #tpu.memory_space<vmem>>
    %dma_start3A_1006 = arith.constant 2688 : i32
    %dma_start3A_1007 = tpu.memref_slice %arg4[%mul3A_2, %dma_start3A_1006] : memref<4096x3328xf32, #tpu.memory_space<hbm>> -> memref<128x128xf32, #tpu.memory_space<hbm>>
    %dma_start3A_1008 = arith.constant 2688 : i32
    %dma_start3A_1009 = tpu.memref_slice %arg4[%mul3A_2, %dma_start3A_1008] : memref<4096x3328xf32, #tpu.memory_space<hbm>> -> memref<128x128xf32, #tpu.memory_space<hbm>>
    %dma_start3A_1010 = arith.constant 0 : i32
    %dma_start3A_1011 = arith.constant 0 : i32
    %dma_start3A_1012 = tpu.memref_slice %arg8[%dma_start3A_1001, %dma_start3A_1010, %dma_start3A_1011] : memref<6x128x128xf32, #tpu.memory_space<vmem>> -> memref<1x128x128xf32, #tpu.memory_space<vmem>>
    %dma_start3A_1013 = tpu.memref_squeeze %dma_start3A_1012 : memref<1x128x128xf32, #tpu.memory_space<vmem>> -> memref<128x128xf32, #tpu.memory_space<vmem>>
    tpu.enqueue_dma source(%dma_start3A_1013 : memref<128x128xf32, #tpu.memory_space<vmem>>) target(%dma_start3A_1009 : memref<128x128xf32, #tpu.memory_space<hbm>>) target_semaphore(%arg18 : memref<!tpu.dma_semaphore, #tpu.memory_space<semaphore_mem>>)
    %dma_wait3A_1014 = arith.constant 1 : i32
    %dma_wait3A_1015 = arith.constant 0 : i32
    %dma_wait3A_1016 = arith.constant 0 : i32
    %dma_wait3A_1017 = tpu.memref_slice %arg8[%dma_wait3A_1014, %dma_wait3A_1015, %dma_wait3A_1016] : memref<6x128x128xf32, #tpu.memory_space<vmem>> -> memref<1x128x128xf32, #tpu.memory_space<vmem>>
    %dma_wait3A_1018 = tpu.memref_squeeze %dma_wait3A_1017 : memref<1x128x128xf32, #tpu.memory_space<vmem>> -> memref<128x128xf32, #tpu.memory_space<vmem>>
    %dma_wait3A_1019 = arith.constant 2432 : i32
    %dma_wait3A_1020 = tpu.memref_slice %arg4[%mul3A_2, %dma_wait3A_1019] : memref<4096x3328xf32, #tpu.memory_space<hbm>> -> memref<128x128xf32, #tpu.memory_space<hbm>>
    %dma_wait3A_1021 = arith.constant 2432 : i32
    %dma_wait3A_1022 = tpu.memref_slice %arg4[%mul3A_2, %dma_wait3A_1021] : memref<4096x3328xf32, #tpu.memory_space<hbm>> -> memref<128x128xf32, #tpu.memory_space<hbm>>
    %dma_wait3A_1023 = arith.constant 0 : i32
    %dma_wait3A_1024 = arith.constant 0 : i32
    %dma_wait3A_1025 = tpu.memref_slice %arg8[%dma_wait3A_1014, %dma_wait3A_1023, %dma_wait3A_1024] : memref<6x128x128xf32, #tpu.memory_space<vmem>> -> memref<1x128x128xf32, #tpu.memory_space<vmem>>
    %dma_wait3A_1026 = tpu.memref_squeeze %dma_wait3A_1025 : memref<1x128x128xf32, #tpu.memory_space<vmem>> -> memref<128x128xf32, #tpu.memory_space<vmem>>
    tpu.wait_dma2 semaphore(%arg16 : memref<!tpu.dma_semaphore, #tpu.memory_space<semaphore_mem>>) src(%dma_wait3A_1026 : memref<128x128xf32, #tpu.memory_space<vmem>>) dst(%dma_wait3A_1022 : memref<128x128xf32, #tpu.memory_space<hbm>>)
    %dma_start3A_1027 = arith.constant 1 : i32
    %dma_start3A_1028 = arith.constant 0 : i32
    %dma_start3A_1029 = arith.constant 0 : i32
    %dma_start3A_1030 = tpu.memref_slice %arg8[%dma_start3A_1027, %dma_start3A_1028, %dma_start3A_1029] : memref<6x128x128xf32, #tpu.memory_space<vmem>> -> memref<1x128x128xf32, #tpu.memory_space<vmem>>
    %dma_start3A_1031 = tpu.memref_squeeze %dma_start3A_1030 : memref<1x128x128xf32, #tpu.memory_space<vmem>> -> memref<128x128xf32, #tpu.memory_space<vmem>>
    %dma_start3A_1032 = arith.constant 3200 : i32
    %dma_start3A_1033 = tpu.memref_slice %arg7[%dma_start3A_1032] : memref<3328xi32, #tpu.memory_space<vmem>> -> memref<128xi32, #tpu.memory_space<vmem>>
    %dma_start3A_1034 = arith.constant 0 : i32
    %dma_start3A_1035 = arith.constant 0 : i32
    %dma_start3A_1036 = tpu.memref_slice %arg5[%dma_start3A_1034, %dma_start3A_1035] : memref<2600x128xf32, #tpu.memory_space<vmem_shared>> -> memref<2600x128xf32, #tpu.memory_space<vmem_shared>>
    tpu.enqueue_indirect_dma source(%dma_start3A_1036 : memref<2600x128xf32, #tpu.memory_space<vmem_shared>>) target(%dma_start3A_1031 : memref<128x128xf32, #tpu.memory_space<vmem>>) offsets(%dma_start3A_1033 : memref<128xi32, #tpu.memory_space<vmem>>) semaphore(%arg10 : memref<!tpu.dma_semaphore, #tpu.memory_space<semaphore_mem>>)
    %dma_wait3A_1037 = arith.constant 4 : i32
    %dma_wait3A_1038 = arith.constant 0 : i32
    %dma_wait3A_1039 = arith.constant 0 : i32
    %dma_wait3A_1040 = tpu.memref_slice %arg8[%dma_wait3A_1037, %dma_wait3A_1038, %dma_wait3A_1039] : memref<6x128x128xf32, #tpu.memory_space<vmem>> -> memref<1x128x128xf32, #tpu.memory_space<vmem>>
    %dma_wait3A_1041 = tpu.memref_squeeze %dma_wait3A_1040 : memref<1x128x128xf32, #tpu.memory_space<vmem>> -> memref<128x128xf32, #tpu.memory_space<vmem>>
    %dma_wait3A_1042 = arith.constant 2816 : i32
    %dma_wait3A_1043 = tpu.memref_slice %arg7[%dma_wait3A_1042] : memref<3328xi32, #tpu.memory_space<vmem>> -> memref<128xi32, #tpu.memory_space<vmem>>
    %dma_wait3A_1044 = arith.constant 0 : i32
    %dma_wait3A_1045 = arith.constant 0 : i32
    %dma_wait3A_1046 = tpu.memref_slice %arg5[%dma_wait3A_1044, %dma_wait3A_1045] : memref<2600x128xf32, #tpu.memory_space<vmem_shared>> -> memref<2600x128xf32, #tpu.memory_space<vmem_shared>>
    tpu.wait_indirect_dma semaphore(%arg13 : memref<!tpu.dma_semaphore, #tpu.memory_space<semaphore_mem>>) src(%dma_wait3A_1046 : memref<2600x128xf32, #tpu.memory_space<vmem_shared>>) dst(%dma_wait3A_1041 : memref<128x128xf32, #tpu.memory_space<vmem>>)
    %dma_start3A_1047 = arith.constant 4 : i32
    %dma_start3A_1048 = arith.constant 0 : i32
    %dma_start3A_1049 = arith.constant 0 : i32
    %dma_start3A_1050 = tpu.memref_slice %arg8[%dma_start3A_1047, %dma_start3A_1048, %dma_start3A_1049] : memref<6x128x128xf32, #tpu.memory_space<vmem>> -> memref<1x128x128xf32, #tpu.memory_space<vmem>>
    %dma_start3A_1051 = tpu.memref_squeeze %dma_start3A_1050 : memref<1x128x128xf32, #tpu.memory_space<vmem>> -> memref<128x128xf32, #tpu.memory_space<vmem>>
    %dma_start3A_1052 = arith.constant 2816 : i32
    %dma_start3A_1053 = tpu.memref_slice %arg4[%mul3A_2, %dma_start3A_1052] : memref<4096x3328xf32, #tpu.memory_space<hbm>> -> memref<128x128xf32, #tpu.memory_space<hbm>>
    %dma_start3A_1054 = arith.constant 2816 : i32
    %dma_start3A_1055 = tpu.memref_slice %arg4[%mul3A_2, %dma_start3A_1054] : memref<4096x3328xf32, #tpu.memory_space<hbm>> -> memref<128x128xf32, #tpu.memory_space<hbm>>
    %dma_start3A_1056 = arith.constant 0 : i32
    %dma_start3A_1057 = arith.constant 0 : i32
    %dma_start3A_1058 = tpu.memref_slice %arg8[%dma_start3A_1047, %dma_start3A_1056, %dma_start3A_1057] : memref<6x128x128xf32, #tpu.memory_space<vmem>> -> memref<1x128x128xf32, #tpu.memory_space<vmem>>
    %dma_start3A_1059 = tpu.memref_squeeze %dma_start3A_1058 : memref<1x128x128xf32, #tpu.memory_space<vmem>> -> memref<128x128xf32, #tpu.memory_space<vmem>>
    tpu.enqueue_dma source(%dma_start3A_1059 : memref<128x128xf32, #tpu.memory_space<vmem>>) target(%dma_start3A_1055 : memref<128x128xf32, #tpu.memory_space<hbm>>) target_semaphore(%arg19 : memref<!tpu.dma_semaphore, #tpu.memory_space<semaphore_mem>>)
    %dma_wait3A_1060 = arith.constant 5 : i32
    %dma_wait3A_1061 = arith.constant 0 : i32
    %dma_wait3A_1062 = arith.constant 0 : i32
    %dma_wait3A_1063 = tpu.memref_slice %arg8[%dma_wait3A_1060, %dma_wait3A_1061, %dma_wait3A_1062] : memref<6x128x128xf32, #tpu.memory_space<vmem>> -> memref<1x128x128xf32, #tpu.memory_space<vmem>>
    %dma_wait3A_1064 = tpu.memref_squeeze %dma_wait3A_1063 : memref<1x128x128xf32, #tpu.memory_space<vmem>> -> memref<128x128xf32, #tpu.memory_space<vmem>>
    %dma_wait3A_1065 = arith.constant 2944 : i32
    %dma_wait3A_1066 = tpu.memref_slice %arg7[%dma_wait3A_1065] : memref<3328xi32, #tpu.memory_space<vmem>> -> memref<128xi32, #tpu.memory_space<vmem>>
    %dma_wait3A_1067 = arith.constant 0 : i32
    %dma_wait3A_1068 = arith.constant 0 : i32
    %dma_wait3A_1069 = tpu.memref_slice %arg5[%dma_wait3A_1067, %dma_wait3A_1068] : memref<2600x128xf32, #tpu.memory_space<vmem_shared>> -> memref<2600x128xf32, #tpu.memory_space<vmem_shared>>
    tpu.wait_indirect_dma semaphore(%arg14 : memref<!tpu.dma_semaphore, #tpu.memory_space<semaphore_mem>>) src(%dma_wait3A_1069 : memref<2600x128xf32, #tpu.memory_space<vmem_shared>>) dst(%dma_wait3A_1064 : memref<128x128xf32, #tpu.memory_space<vmem>>)
    %dma_start3A_1070 = arith.constant 5 : i32
    %dma_start3A_1071 = arith.constant 0 : i32
    %dma_start3A_1072 = arith.constant 0 : i32
    %dma_start3A_1073 = tpu.memref_slice %arg8[%dma_start3A_1070, %dma_start3A_1071, %dma_start3A_1072] : memref<6x128x128xf32, #tpu.memory_space<vmem>> -> memref<1x128x128xf32, #tpu.memory_space<vmem>>
    %dma_start3A_1074 = tpu.memref_squeeze %dma_start3A_1073 : memref<1x128x128xf32, #tpu.memory_space<vmem>> -> memref<128x128xf32, #tpu.memory_space<vmem>>
    %dma_start3A_1075 = arith.constant 2944 : i32
    %dma_start3A_1076 = tpu.memref_slice %arg4[%mul3A_2, %dma_start3A_1075] : memref<4096x3328xf32, #tpu.memory_space<hbm>> -> memref<128x128xf32, #tpu.memory_space<hbm>>
    %dma_start3A_1077 = arith.constant 2944 : i32
    %dma_start3A_1078 = tpu.memref_slice %arg4[%mul3A_2, %dma_start3A_1077] : memref<4096x3328xf32, #tpu.memory_space<hbm>> -> memref<128x128xf32, #tpu.memory_space<hbm>>
    %dma_start3A_1079 = arith.constant 0 : i32
    %dma_start3A_1080 = arith.constant 0 : i32
    %dma_start3A_1081 = tpu.memref_slice %arg8[%dma_start3A_1070, %dma_start3A_1079, %dma_start3A_1080] : memref<6x128x128xf32, #tpu.memory_space<vmem>> -> memref<1x128x128xf32, #tpu.memory_space<vmem>>
    %dma_start3A_1082 = tpu.memref_squeeze %dma_start3A_1081 : memref<1x128x128xf32, #tpu.memory_space<vmem>> -> memref<128x128xf32, #tpu.memory_space<vmem>>
    tpu.enqueue_dma source(%dma_start3A_1082 : memref<128x128xf32, #tpu.memory_space<vmem>>) target(%dma_start3A_1078 : memref<128x128xf32, #tpu.memory_space<hbm>>) target_semaphore(%arg20 : memref<!tpu.dma_semaphore, #tpu.memory_space<semaphore_mem>>)
    %dma_wait3A_1083 = arith.constant 0 : i32
    %dma_wait3A_1084 = arith.constant 0 : i32
    %dma_wait3A_1085 = arith.constant 0 : i32
    %dma_wait3A_1086 = tpu.memref_slice %arg8[%dma_wait3A_1083, %dma_wait3A_1084, %dma_wait3A_1085] : memref<6x128x128xf32, #tpu.memory_space<vmem>> -> memref<1x128x128xf32, #tpu.memory_space<vmem>>
    %dma_wait3A_1087 = tpu.memref_squeeze %dma_wait3A_1086 : memref<1x128x128xf32, #tpu.memory_space<vmem>> -> memref<128x128xf32, #tpu.memory_space<vmem>>
    %dma_wait3A_1088 = arith.constant 3072 : i32
    %dma_wait3A_1089 = tpu.memref_slice %arg7[%dma_wait3A_1088] : memref<3328xi32, #tpu.memory_space<vmem>> -> memref<128xi32, #tpu.memory_space<vmem>>
    %dma_wait3A_1090 = arith.constant 0 : i32
    %dma_wait3A_1091 = arith.constant 0 : i32
    %dma_wait3A_1092 = tpu.memref_slice %arg5[%dma_wait3A_1090, %dma_wait3A_1091] : memref<2600x128xf32, #tpu.memory_space<vmem_shared>> -> memref<2600x128xf32, #tpu.memory_space<vmem_shared>>
    tpu.wait_indirect_dma semaphore(%arg9 : memref<!tpu.dma_semaphore, #tpu.memory_space<semaphore_mem>>) src(%dma_wait3A_1092 : memref<2600x128xf32, #tpu.memory_space<vmem_shared>>) dst(%dma_wait3A_1087 : memref<128x128xf32, #tpu.memory_space<vmem>>)
    %dma_start3A_1093 = arith.constant 0 : i32
    %dma_start3A_1094 = arith.constant 0 : i32
    %dma_start3A_1095 = arith.constant 0 : i32
    %dma_start3A_1096 = tpu.memref_slice %arg8[%dma_start3A_1093, %dma_start3A_1094, %dma_start3A_1095] : memref<6x128x128xf32, #tpu.memory_space<vmem>> -> memref<1x128x128xf32, #tpu.memory_space<vmem>>
    %dma_start3A_1097 = tpu.memref_squeeze %dma_start3A_1096 : memref<1x128x128xf32, #tpu.memory_space<vmem>> -> memref<128x128xf32, #tpu.memory_space<vmem>>
    %dma_start3A_1098 = arith.constant 3072 : i32
    %dma_start3A_1099 = tpu.memref_slice %arg4[%mul3A_2, %dma_start3A_1098] : memref<4096x3328xf32, #tpu.memory_space<hbm>> -> memref<128x128xf32, #tpu.memory_space<hbm>>
    %dma_start3A_1100 = arith.constant 3072 : i32
    %dma_start3A_1101 = tpu.memref_slice %arg4[%mul3A_2, %dma_start3A_1100] : memref<4096x3328xf32, #tpu.memory_space<hbm>> -> memref<128x128xf32, #tpu.memory_space<hbm>>
    %dma_start3A_1102 = arith.constant 0 : i32
    %dma_start3A_1103 = arith.constant 0 : i32
    %dma_start3A_1104 = tpu.memref_slice %arg8[%dma_start3A_1093, %dma_start3A_1102, %dma_start3A_1103] : memref<6x128x128xf32, #tpu.memory_space<vmem>> -> memref<1x128x128xf32, #tpu.memory_space<vmem>>
    %dma_start3A_1105 = tpu.memref_squeeze %dma_start3A_1104 : memref<1x128x128xf32, #tpu.memory_space<vmem>> -> memref<128x128xf32, #tpu.memory_space<vmem>>
    tpu.enqueue_dma source(%dma_start3A_1105 : memref<128x128xf32, #tpu.memory_space<vmem>>) target(%dma_start3A_1101 : memref<128x128xf32, #tpu.memory_space<hbm>>) target_semaphore(%arg15 : memref<!tpu.dma_semaphore, #tpu.memory_space<semaphore_mem>>)
    %dma_wait3A_1106 = arith.constant 1 : i32
    %dma_wait3A_1107 = arith.constant 0 : i32
    %dma_wait3A_1108 = arith.constant 0 : i32
    %dma_wait3A_1109 = tpu.memref_slice %arg8[%dma_wait3A_1106, %dma_wait3A_1107, %dma_wait3A_1108] : memref<6x128x128xf32, #tpu.memory_space<vmem>> -> memref<1x128x128xf32, #tpu.memory_space<vmem>>
    %dma_wait3A_1110 = tpu.memref_squeeze %dma_wait3A_1109 : memref<1x128x128xf32, #tpu.memory_space<vmem>> -> memref<128x128xf32, #tpu.memory_space<vmem>>
    %dma_wait3A_1111 = arith.constant 3200 : i32
    %dma_wait3A_1112 = tpu.memref_slice %arg7[%dma_wait3A_1111] : memref<3328xi32, #tpu.memory_space<vmem>> -> memref<128xi32, #tpu.memory_space<vmem>>
    %dma_wait3A_1113 = arith.constant 0 : i32
    %dma_wait3A_1114 = arith.constant 0 : i32
    %dma_wait3A_1115 = tpu.memref_slice %arg5[%dma_wait3A_1113, %dma_wait3A_1114] : memref<2600x128xf32, #tpu.memory_space<vmem_shared>> -> memref<2600x128xf32, #tpu.memory_space<vmem_shared>>
    tpu.wait_indirect_dma semaphore(%arg10 : memref<!tpu.dma_semaphore, #tpu.memory_space<semaphore_mem>>) src(%dma_wait3A_1115 : memref<2600x128xf32, #tpu.memory_space<vmem_shared>>) dst(%dma_wait3A_1110 : memref<128x128xf32, #tpu.memory_space<vmem>>)
    %dma_start3A_1116 = arith.constant 1 : i32
    %dma_start3A_1117 = arith.constant 0 : i32
    %dma_start3A_1118 = arith.constant 0 : i32
    %dma_start3A_1119 = tpu.memref_slice %arg8[%dma_start3A_1116, %dma_start3A_1117, %dma_start3A_1118] : memref<6x128x128xf32, #tpu.memory_space<vmem>> -> memref<1x128x128xf32, #tpu.memory_space<vmem>>
    %dma_start3A_1120 = tpu.memref_squeeze %dma_start3A_1119 : memref<1x128x128xf32, #tpu.memory_space<vmem>> -> memref<128x128xf32, #tpu.memory_space<vmem>>
    %dma_start3A_1121 = arith.constant 3200 : i32
    %dma_start3A_1122 = tpu.memref_slice %arg4[%mul3A_2, %dma_start3A_1121] : memref<4096x3328xf32, #tpu.memory_space<hbm>> -> memref<128x128xf32, #tpu.memory_space<hbm>>
    %dma_start3A_1123 = arith.constant 3200 : i32
    %dma_start3A_1124 = tpu.memref_slice %arg4[%mul3A_2, %dma_start3A_1123] : memref<4096x3328xf32, #tpu.memory_space<hbm>> -> memref<128x128xf32, #tpu.memory_space<hbm>>
    %dma_start3A_1125 = arith.constant 0 : i32
    %dma_start3A_1126 = arith.constant 0 : i32
    %dma_start3A_1127 = tpu.memref_slice %arg8[%dma_start3A_1116, %dma_start3A_1125, %dma_start3A_1126] : memref<6x128x128xf32, #tpu.memory_space<vmem>> -> memref<1x128x128xf32, #tpu.memory_space<vmem>>
    %dma_start3A_1128 = tpu.memref_squeeze %dma_start3A_1127 : memref<1x128x128xf32, #tpu.memory_space<vmem>> -> memref<128x128xf32, #tpu.memory_space<vmem>>
    tpu.enqueue_dma source(%dma_start3A_1128 : memref<128x128xf32, #tpu.memory_space<vmem>>) target(%dma_start3A_1124 : memref<128x128xf32, #tpu.memory_space<hbm>>) target_semaphore(%arg16 : memref<!tpu.dma_semaphore, #tpu.memory_space<semaphore_mem>>)
    %dma_wait3A_1129 = arith.constant 2 : i32
    %dma_wait3A_1130 = arith.constant 0 : i32
    %dma_wait3A_1131 = arith.constant 0 : i32
    %dma_wait3A_1132 = tpu.memref_slice %arg8[%dma_wait3A_1129, %dma_wait3A_1130, %dma_wait3A_1131] : memref<6x128x128xf32, #tpu.memory_space<vmem>> -> memref<1x128x128xf32, #tpu.memory_space<vmem>>
    %dma_wait3A_1133 = tpu.memref_squeeze %dma_wait3A_1132 : memref<1x128x128xf32, #tpu.memory_space<vmem>> -> memref<128x128xf32, #tpu.memory_space<vmem>>
    %dma_wait3A_1134 = arith.constant 2560 : i32
    %dma_wait3A_1135 = tpu.memref_slice %arg4[%mul3A_2, %dma_wait3A_1134] : memref<4096x3328xf32, #tpu.memory_space<hbm>> -> memref<128x128xf32, #tpu.memory_space<hbm>>
    %dma_wait3A_1136 = arith.constant 2560 : i32
    %dma_wait3A_1137 = tpu.memref_slice %arg4[%mul3A_2, %dma_wait3A_1136] : memref<4096x3328xf32, #tpu.memory_space<hbm>> -> memref<128x128xf32, #tpu.memory_space<hbm>>
    %dma_wait3A_1138 = arith.constant 0 : i32
    %dma_wait3A_1139 = arith.constant 0 : i32
    %dma_wait3A_1140 = tpu.memref_slice %arg8[%dma_wait3A_1129, %dma_wait3A_1138, %dma_wait3A_1139] : memref<6x128x128xf32, #tpu.memory_space<vmem>> -> memref<1x128x128xf32, #tpu.memory_space<vmem>>
    %dma_wait3A_1141 = tpu.memref_squeeze %dma_wait3A_1140 : memref<1x128x128xf32, #tpu.memory_space<vmem>> -> memref<128x128xf32, #tpu.memory_space<vmem>>
    tpu.wait_dma2 semaphore(%arg17 : memref<!tpu.dma_semaphore, #tpu.memory_space<semaphore_mem>>) src(%dma_wait3A_1141 : memref<128x128xf32, #tpu.memory_space<vmem>>) dst(%dma_wait3A_1137 : memref<128x128xf32, #tpu.memory_space<hbm>>)
    %dma_wait3A_1142 = arith.constant 3 : i32
    %dma_wait3A_1143 = arith.constant 0 : i32
    %dma_wait3A_1144 = arith.constant 0 : i32
    %dma_wait3A_1145 = tpu.memref_slice %arg8[%dma_wait3A_1142, %dma_wait3A_1143, %dma_wait3A_1144] : memref<6x128x128xf32, #tpu.memory_space<vmem>> -> memref<1x128x128xf32, #tpu.memory_space<vmem>>
    %dma_wait3A_1146 = tpu.memref_squeeze %dma_wait3A_1145 : memref<1x128x128xf32, #tpu.memory_space<vmem>> -> memref<128x128xf32, #tpu.memory_space<vmem>>
    %dma_wait3A_1147 = arith.constant 2688 : i32
    %dma_wait3A_1148 = tpu.memref_slice %arg4[%mul3A_2, %dma_wait3A_1147] : memref<4096x3328xf32, #tpu.memory_space<hbm>> -> memref<128x128xf32, #tpu.memory_space<hbm>>
    %dma_wait3A_1149 = arith.constant 2688 : i32
    %dma_wait3A_1150 = tpu.memref_slice %arg4[%mul3A_2, %dma_wait3A_1149] : memref<4096x3328xf32, #tpu.memory_space<hbm>> -> memref<128x128xf32, #tpu.memory_space<hbm>>
    %dma_wait3A_1151 = arith.constant 0 : i32
    %dma_wait3A_1152 = arith.constant 0 : i32
    %dma_wait3A_1153 = tpu.memref_slice %arg8[%dma_wait3A_1142, %dma_wait3A_1151, %dma_wait3A_1152] : memref<6x128x128xf32, #tpu.memory_space<vmem>> -> memref<1x128x128xf32, #tpu.memory_space<vmem>>
    %dma_wait3A_1154 = tpu.memref_squeeze %dma_wait3A_1153 : memref<1x128x128xf32, #tpu.memory_space<vmem>> -> memref<128x128xf32, #tpu.memory_space<vmem>>
    tpu.wait_dma2 semaphore(%arg18 : memref<!tpu.dma_semaphore, #tpu.memory_space<semaphore_mem>>) src(%dma_wait3A_1154 : memref<128x128xf32, #tpu.memory_space<vmem>>) dst(%dma_wait3A_1150 : memref<128x128xf32, #tpu.memory_space<hbm>>)
    %dma_wait3A_1155 = arith.constant 4 : i32
    %dma_wait3A_1156 = arith.constant 0 : i32
    %dma_wait3A_1157 = arith.constant 0 : i32
    %dma_wait3A_1158 = tpu.memref_slice %arg8[%dma_wait3A_1155, %dma_wait3A_1156, %dma_wait3A_1157] : memref<6x128x128xf32, #tpu.memory_space<vmem>> -> memref<1x128x128xf32, #tpu.memory_space<vmem>>
    %dma_wait3A_1159 = tpu.memref_squeeze %dma_wait3A_1158 : memref<1x128x128xf32, #tpu.memory_space<vmem>> -> memref<128x128xf32, #tpu.memory_space<vmem>>
    %dma_wait3A_1160 = arith.constant 2816 : i32
    %dma_wait3A_1161 = tpu.memref_slice %arg4[%mul3A_2, %dma_wait3A_1160] : memref<4096x3328xf32, #tpu.memory_space<hbm>> -> memref<128x128xf32, #tpu.memory_space<hbm>>
    %dma_wait3A_1162 = arith.constant 2816 : i32
    %dma_wait3A_1163 = tpu.memref_slice %arg4[%mul3A_2, %dma_wait3A_1162] : memref<4096x3328xf32, #tpu.memory_space<hbm>> -> memref<128x128xf32, #tpu.memory_space<hbm>>
    %dma_wait3A_1164 = arith.constant 0 : i32
    %dma_wait3A_1165 = arith.constant 0 : i32
    %dma_wait3A_1166 = tpu.memref_slice %arg8[%dma_wait3A_1155, %dma_wait3A_1164, %dma_wait3A_1165] : memref<6x128x128xf32, #tpu.memory_space<vmem>> -> memref<1x128x128xf32, #tpu.memory_space<vmem>>
    %dma_wait3A_1167 = tpu.memref_squeeze %dma_wait3A_1166 : memref<1x128x128xf32, #tpu.memory_space<vmem>> -> memref<128x128xf32, #tpu.memory_space<vmem>>
    tpu.wait_dma2 semaphore(%arg19 : memref<!tpu.dma_semaphore, #tpu.memory_space<semaphore_mem>>) src(%dma_wait3A_1167 : memref<128x128xf32, #tpu.memory_space<vmem>>) dst(%dma_wait3A_1163 : memref<128x128xf32, #tpu.memory_space<hbm>>)
    %dma_wait3A_1168 = arith.constant 5 : i32
    %dma_wait3A_1169 = arith.constant 0 : i32
    %dma_wait3A_1170 = arith.constant 0 : i32
    %dma_wait3A_1171 = tpu.memref_slice %arg8[%dma_wait3A_1168, %dma_wait3A_1169, %dma_wait3A_1170] : memref<6x128x128xf32, #tpu.memory_space<vmem>> -> memref<1x128x128xf32, #tpu.memory_space<vmem>>
    %dma_wait3A_1172 = tpu.memref_squeeze %dma_wait3A_1171 : memref<1x128x128xf32, #tpu.memory_space<vmem>> -> memref<128x128xf32, #tpu.memory_space<vmem>>
    %dma_wait3A_1173 = arith.constant 2944 : i32
    %dma_wait3A_1174 = tpu.memref_slice %arg4[%mul3A_2, %dma_wait3A_1173] : memref<4096x3328xf32, #tpu.memory_space<hbm>> -> memref<128x128xf32, #tpu.memory_space<hbm>>
    %dma_wait3A_1175 = arith.constant 2944 : i32
    %dma_wait3A_1176 = tpu.memref_slice %arg4[%mul3A_2, %dma_wait3A_1175] : memref<4096x3328xf32, #tpu.memory_space<hbm>> -> memref<128x128xf32, #tpu.memory_space<hbm>>
    %dma_wait3A_1177 = arith.constant 0 : i32
    %dma_wait3A_1178 = arith.constant 0 : i32
    %dma_wait3A_1179 = tpu.memref_slice %arg8[%dma_wait3A_1168, %dma_wait3A_1177, %dma_wait3A_1178] : memref<6x128x128xf32, #tpu.memory_space<vmem>> -> memref<1x128x128xf32, #tpu.memory_space<vmem>>
    %dma_wait3A_1180 = tpu.memref_squeeze %dma_wait3A_1179 : memref<1x128x128xf32, #tpu.memory_space<vmem>> -> memref<128x128xf32, #tpu.memory_space<vmem>>
    tpu.wait_dma2 semaphore(%arg20 : memref<!tpu.dma_semaphore, #tpu.memory_space<semaphore_mem>>) src(%dma_wait3A_1180 : memref<128x128xf32, #tpu.memory_space<vmem>>) dst(%dma_wait3A_1176 : memref<128x128xf32, #tpu.memory_space<hbm>>)
    %dma_wait3A_1181 = arith.constant 0 : i32
    %dma_wait3A_1182 = arith.constant 0 : i32
    %dma_wait3A_1183 = arith.constant 0 : i32
    %dma_wait3A_1184 = tpu.memref_slice %arg8[%dma_wait3A_1181, %dma_wait3A_1182, %dma_wait3A_1183] : memref<6x128x128xf32, #tpu.memory_space<vmem>> -> memref<1x128x128xf32, #tpu.memory_space<vmem>>
    %dma_wait3A_1185 = tpu.memref_squeeze %dma_wait3A_1184 : memref<1x128x128xf32, #tpu.memory_space<vmem>> -> memref<128x128xf32, #tpu.memory_space<vmem>>
    %dma_wait3A_1186 = arith.constant 3072 : i32
    %dma_wait3A_1187 = tpu.memref_slice %arg4[%mul3A_2, %dma_wait3A_1186] : memref<4096x3328xf32, #tpu.memory_space<hbm>> -> memref<128x128xf32, #tpu.memory_space<hbm>>
    %dma_wait3A_1188 = arith.constant 3072 : i32
    %dma_wait3A_1189 = tpu.memref_slice %arg4[%mul3A_2, %dma_wait3A_1188] : memref<4096x3328xf32, #tpu.memory_space<hbm>> -> memref<128x128xf32, #tpu.memory_space<hbm>>
    %dma_wait3A_1190 = arith.constant 0 : i32
    %dma_wait3A_1191 = arith.constant 0 : i32
    %dma_wait3A_1192 = tpu.memref_slice %arg8[%dma_wait3A_1181, %dma_wait3A_1190, %dma_wait3A_1191] : memref<6x128x128xf32, #tpu.memory_space<vmem>> -> memref<1x128x128xf32, #tpu.memory_space<vmem>>
    %dma_wait3A_1193 = tpu.memref_squeeze %dma_wait3A_1192 : memref<1x128x128xf32, #tpu.memory_space<vmem>> -> memref<128x128xf32, #tpu.memory_space<vmem>>
    tpu.wait_dma2 semaphore(%arg15 : memref<!tpu.dma_semaphore, #tpu.memory_space<semaphore_mem>>) src(%dma_wait3A_1193 : memref<128x128xf32, #tpu.memory_space<vmem>>) dst(%dma_wait3A_1189 : memref<128x128xf32, #tpu.memory_space<hbm>>)
    %dma_wait3A_1194 = arith.constant 1 : i32
    %dma_wait3A_1195 = arith.constant 0 : i32
    %dma_wait3A_1196 = arith.constant 0 : i32
    %dma_wait3A_1197 = tpu.memref_slice %arg8[%dma_wait3A_1194, %dma_wait3A_1195, %dma_wait3A_1196] : memref<6x128x128xf32, #tpu.memory_space<vmem>> -> memref<1x128x128xf32, #tpu.memory_space<vmem>>
    %dma_wait3A_1198 = tpu.memref_squeeze %dma_wait3A_1197 : memref<1x128x128xf32, #tpu.memory_space<vmem>> -> memref<128x128xf32, #tpu.memory_space<vmem>>
    %dma_wait3A_1199 = arith.constant 3200 : i32
    %dma_wait3A_1200 = tpu.memref_slice %arg4[%mul3A_2, %dma_wait3A_1199] : memref<4096x3328xf32, #tpu.memory_space<hbm>> -> memref<128x128xf32, #tpu.memory_space<hbm>>
    %dma_wait3A_1201 = arith.constant 3200 : i32
    %dma_wait3A_1202 = tpu.memref_slice %arg4[%mul3A_2, %dma_wait3A_1201] : memref<4096x3328xf32, #tpu.memory_space<hbm>> -> memref<128x128xf32, #tpu.memory_space<hbm>>
    %dma_wait3A_1203 = arith.constant 0 : i32
    %dma_wait3A_1204 = arith.constant 0 : i32
    %dma_wait3A_1205 = tpu.memref_slice %arg8[%dma_wait3A_1194, %dma_wait3A_1203, %dma_wait3A_1204] : memref<6x128x128xf32, #tpu.memory_space<vmem>> -> memref<1x128x128xf32, #tpu.memory_space<vmem>>
    %dma_wait3A_1206 = tpu.memref_squeeze %dma_wait3A_1205 : memref<1x128x128xf32, #tpu.memory_space<vmem>> -> memref<128x128xf32, #tpu.memory_space<vmem>>
    tpu.wait_dma2 semaphore(%arg16 : memref<!tpu.dma_semaphore, #tpu.memory_space<semaphore_mem>>) src(%dma_wait3A_1206 : memref<128x128xf32, #tpu.memory_space<vmem>>) dst(%dma_wait3A_1202 : memref<128x128xf32, #tpu.memory_space<hbm>>)
    return
  }
}

module attributes {stable_mosaic.version = 14 : i64} {
  func.func @_mm_kernel(%arg0: i32, %arg1: memref<512x3328xf32, #tpu.memory_space<vmem>>, %arg2: memref<3328x1536xbf16, #tpu.memory_space<vmem>>, %arg3: memref<1x1536xf32, #tpu.memory_space<vmem>>, %arg4: memref<512x512xf32, #tpu.memory_space<vmem>>, %arg5: memref<512x512xf32, #tpu.memory_space<vmem>>, %arg6: memref<512x512xf32, #tpu.memory_space<vmem>>) attributes {dimension_semantics = [#tpu.dimension_semantics<arbitrary>], iteration_bounds = array<i64: 8>, scalar_prefetch = 0 : i64, scratch_operands = 0 : i64, tpu.core_type = #tpu.core_type<tc>, window_params = [{transform_indices = @transform_0, window_bounds = array<i64: 512, 3328>}, {pipeline_mode = #tpu.pipeline_mode<synchronous>, transform_indices = @transform_1, window_bounds = array<i64: 3328, 1536>}, {pipeline_mode = #tpu.pipeline_mode<synchronous>, transform_indices = @transform_2, window_bounds = array<i64: 1, 1536>}, {transform_indices = @transform_3, window_bounds = array<i64: 512, 512>}, {transform_indices = @transform_4, window_bounds = array<i64: 512, 512>}, {transform_indices = @transform_5, window_bounds = array<i64: 512, 512>}]} {
    %get3A = arith.constant 0 : index
    %get3A_0 = arith.constant 0 : index
    %get3A_1 = vector.load %arg1[%get3A, %get3A_0] : memref<512x3328xf32, #tpu.memory_space<vmem>>, vector<512x3328xf32>
    %convert_element_type3A = arith.truncf %get3A_1 : vector<512x3328xf32> to vector<512x3328xbf16>
    %get3A_2 = arith.constant 0 : index
    %get3A_3 = arith.constant 0 : index
    %get3A_4 = vector.load %arg2[%get3A_2, %get3A_3] : memref<3328x1536xbf16, #tpu.memory_space<vmem>>, vector<3328x1536xbf16>
    %dot_general3A = arith.constant dense<0.000000e+00> : vector<512x1536xf32>
    %dot_general3A_5 = tpu.matmul %convert_element_type3A, %get3A_4, %dot_general3A {dimension_numbers = #tpu.dot_dimension_numbers<[1], [0], [0], [1], [0, 0, 1, 1], [], []>, transpose_lhs_hint = false} : vector<512x3328xbf16>, vector<3328x1536xbf16>, vector<512x1536xf32> -> vector<512x1536xf32>
    %get3A_6 = arith.constant 0 : index
    %get3A_7 = arith.constant 0 : index
    %get3A_8 = vector.load %arg3[%get3A_6, %get3A_7] : memref<1x1536xf32, #tpu.memory_space<vmem>>, vector<1x1536xf32>
    %add3A = vector.broadcast %get3A_8 : vector<1x1536xf32> to vector<512x1536xf32>
    %add3A_9 = arith.addf %dot_general3A_5, %add3A : vector<512x1536xf32>
    %slice3A = vector.extract_strided_slice %add3A_9 {offsets = [0, 0], sizes = [512, 512], strides = [1, 1]} : vector<512x1536xf32> to vector<512x512xf32>
    %swap3A = arith.constant 0 : index
    %swap3A_10 = arith.constant 0 : index
    %swap3A_11 = vector.load %arg4[%swap3A, %swap3A_10] : memref<512x512xf32, #tpu.memory_space<vmem>>, vector<512x512xf32>
    tpu.vector_store %arg4[%swap3A, %swap3A_10], %slice3A {strides = array<i32>} : memref<512x512xf32, #tpu.memory_space<vmem>>, vector<512x512xf32>,
    %slice3A_12 = vector.extract_strided_slice %add3A_9 {offsets = [0, 512], sizes = [512, 512], strides = [1, 1]} : vector<512x1536xf32> to vector<512x512xf32>
    %swap3A_13 = arith.constant 0 : index
    %swap3A_14 = arith.constant 0 : index
    %swap3A_15 = vector.load %arg5[%swap3A_13, %swap3A_14] : memref<512x512xf32, #tpu.memory_space<vmem>>, vector<512x512xf32>
    tpu.vector_store %arg5[%swap3A_13, %swap3A_14], %slice3A_12 {strides = array<i32>} : memref<512x512xf32, #tpu.memory_space<vmem>>, vector<512x512xf32>,
    %slice3A_16 = vector.extract_strided_slice %add3A_9 {offsets = [0, 1024], sizes = [512, 512], strides = [1, 1]} : vector<512x1536xf32> to vector<512x512xf32>
    %swap3A_17 = arith.constant 0 : index
    %swap3A_18 = arith.constant 0 : index
    %swap3A_19 = vector.load %arg6[%swap3A_17, %swap3A_18] : memref<512x512xf32, #tpu.memory_space<vmem>>, vector<512x512xf32>
    tpu.vector_store %arg6[%swap3A_17, %swap3A_18], %slice3A_16 {strides = array<i32>} : memref<512x512xf32, #tpu.memory_space<vmem>>, vector<512x512xf32>,
    return
  }
  func.func @transform_0(%arg0: i32) -> (i32, i32) {
    %c0_i32 = arith.constant 0 : i32
    %c0_i32_0 = arith.constant 0 : i32
    return %arg0, %c0_i32 : i32, i32
  }
  func.func @transform_1(%arg0: i32) -> (i32, i32) {
    %c0_i32 = arith.constant 0 : i32
    %c0_i32_0 = arith.constant 0 : i32
    %c0_i32_1 = arith.constant 0 : i32
    return %c0_i32, %c0_i32_0 : i32, i32
  }
  func.func @transform_2(%arg0: i32) -> (i32, i32) {
    %c0_i32 = arith.constant 0 : i32
    %c0_i32_0 = arith.constant 0 : i32
    %c0_i32_1 = arith.constant 0 : i32
    return %c0_i32, %c0_i32_0 : i32, i32
  }
  func.func @transform_3(%arg0: i32) -> (i32, i32) {
    %c0_i32 = arith.constant 0 : i32
    %c0_i32_0 = arith.constant 0 : i32
    return %arg0, %c0_i32 : i32, i32
  }
  func.func @transform_4(%arg0: i32) -> (i32, i32) {
    %c0_i32 = arith.constant 0 : i32
    %c0_i32_0 = arith.constant 0 : i32
    return %arg0, %c0_i32 : i32, i32
  }
  func.func @transform_5(%arg0: i32) -> (i32, i32) {
    %c0_i32 = arith.constant 0 : i32
    %c0_i32_0 = arith.constant 0 : i32
    return %arg0, %c0_i32 : i32, i32
  }
}

</mosaic_0001>

<sc_bundles>
// kernel: _run.4.cloned.1.call-start
scs
__scs_entry_jumppad:
0x0: {  	(pc) =	sbr.rel $0x88, $3  }
0x1: {  	(tag) =	ssettag $0x0;
	lr =	simm.s32 $0x1  }
0x2: {  	[smem:$0x3F9D] =	sst lr;
	_ =	strace $0xD0000000  }
0x3: {  	_ = 	snop  }
0x4: {  	_ = 	snop  }
0x5: {  	_ = 	snop  }
0x6: {  	_ = 	snop  }
0x7: {  	_ = 	snop  }
__scs_overlays_trampoline_lowered:
0x8: {  	[smem:$0x3FAC] =	sst s0  }
0x9: {  	[smem:$0x3FAD] =	sst s1  }
0xa: {  	[smem:$0x3FAE] =	sst s2  }
0xb: {  	[smem:$0x3FAF] =	sst s3  }
0xc: {  	[smem:$0x3FB0] =	sst s4  }
0xd: {  	[smem:$0x3FB1] =	sst s5  }
0xe: {  	[smem:$0x3FB2] =	sst s6  }
0xf: {  	[smem:$0x3FB3] =	sst s7  }
0x10: {  	[smem:$0x3FB4] =	sst s8  }
0x11: {  	[smem:$0x3FB5] =	sst s9;
	s0 =	simm.s32 @!p0 $0x0  }
0x12: {  	s1 =	sld [smem:$0x3F9B];
	s0 =	simm.s32 @p0 $0x1  }
0x13: {  	[smem:$0x3FB6] =	sst s0;
	s0 =	simm.s32 @!p1 $0x0  }
0x14: {  	s2 =	sld [smem:$0x3F9A];
	s0 =	simm.s32 @p1 $0x1  }
0x15: {  	[smem:$0x3FB7] =	sst s0;
	s0 =	simm.s32 @!p2 $0x0  }
0x16: {  	s3 =	sld [smem:$0x3FDB];
	s0 =	simm.s32 @p2 $0x1  }
0x17: {  	s4 =	simm.s32 $0x1BF5;
	[smem:$0x3FB9] =	sst s0  }
0x18: {  	s0 =	sld [smem:$0x3F9C];
	_ =	swait.ge [sflag:s4], $0x0  }
0x19: {  	s7 =	sld [smem:$0x3F9D]  }
0x1a: {  	s8 =	sadd.s32 $0xFFFFE003, lr  }
0x1b: {  	s9 =	sadd.s32 $0xFFFFFEF7, lr;
	s5 =	simm.s32 $0xFFFFFFFF;
	p2 =	slt.u32 s8, $0xFFFFF086  }
0x1c: {  	p1 =	slt.u32 s9, $0xF7A;
	s5 =	simm.s32 @!p2 $0x0  }
0x1d: {  	s5 =	simm.s32 @p1 $0x1;
	p0 =	seq.s32 s7, s2  }
0x1e: {  	s7 =	smul.u32 @!p0 $0xF7A, s2;
	p2 =	seq.s32 @!p0 s5, $0x0  }
0x1f: {  	s9 =	smul.u32 $0xF7A, s1;
	s8 =	simm.s32 @!p0 $0x1BF5;
	p2 =	por !p2, p0  }
0x20: {  	[sflag:s8] =	ssyncset.s32 @!p0 $0xFFFFF086;
	s6 =	sadd.s32 @!p0 s3, s7;
	s7 =	simm.s32 @!p0 $0x108  }
0x21: {  	s3 =	sadd.s32 s3, s9;
	s6 =	sadd.s32 @!p0 $0x88, s6;
	s7 =	simm.s32 @p2 $0x1082  }
0x22: {  	[simem:s7], [sflag:s8] =	dma.local @!p0 [hbm:s6], $0xF7A  }
0x23: {  	s9 =	sor.u32 $0xD0000000, s2;
	s6 =	simm.s32 $0x108;
	_ =	swait.ge @!p0 [sflag:s8], $0x0  }
0x24: {  	s3 =	sadd.s32 $0x88, s3;
	s6 =	simm.s32 @!p1 $0x1082;
	[sflag:s4] =	ssyncset.s32 $0xFFFFF086  }
0x25: {  	[simem:s6], [sflag:s4] =	dma.local [hbm:s3], $0xF7A  }
0x26: {  	[smem:$0x3F9D] =	sst s1;
	(tag) =	ssettag s2;
	_ =	strace s9  }
0x27: {  	s1 =	sld [smem:$0x3FAD]  }
0x28: {  	s2 =	sld [smem:$0x3FAE]  }
0x29: {  	s4 =	sld [smem:$0x3FB0]  }
0x2a: {  	p0 =	seq.s32 s5, $0x0;
	s5 =	sld [smem:$0x3FB1]  }
0x2b: {  	s6 =	sld [smem:$0x3FB2]  }
0x2c: {  	s7 =	sld [smem:$0x3FB3]  }
0x2d: {  	s3 =	simm.s32 $0x108;
	s8 =	sld [smem:$0x3FB4]  }
0x2e: {  	s3 =	simm.s32 @!p0 $0x1082;
	s9 =	sld [smem:$0x3FB5]  }
0x2f: {  	lr =	sadd.s32 s0, s3;
	s0 =	sld [smem:$0x3FAC]  }
0x30: {  	s3 =	sld [smem:$0x3FAF]  }
0x31: {  	[smem:$0x3FB8] =	sst s10  }
0x32: {  	s10 =	sld [smem:$0x3FB6];
	_ =	sdelay $0x3  }
0x33: {  	p0 =	seq.s32 s10, $0x1;
	s10 =	sld [smem:$0x3FB8];
	_ =	sdelay $0x3  }
0x34: {  	[smem:$0x3FB8] =	sst s10  }
0x35: {  	s10 =	sld [smem:$0x3FB7];
	_ =	sdelay $0x3  }
0x36: {  	p1 =	seq.s32 s10, $0x1;
	s10 =	sld [smem:$0x3FB8];
	_ =	sdelay $0x3  }
0x37: {  	[smem:$0x3FB8] =	sst s10  }
0x38: {  	s10 =	sld [smem:$0x3FB9]  }
0x39: {  	_ = 	snop;
	(pc) =	sbr.ind lr, $3  }
0x3a: {  	_ = 	snop  }
0x3b: {  	_ = 	snop  }
0x3c: {  	p2 =	seq.s32 s10, $0x1;
	s10 =	sld [smem:$0x3FB8]  }
0x3d: {  	_ =	shalt  }
0x3e: {  	_ =	shalt  }
0x3f: {  	_ =	shalt  }
0x40: {  	_ =	shalt  }
0x41: {  	_ =	shalt  }
0x42: {  	_ =	shalt  }
0x43: {  	_ =	shalt  }
0x44: {  	_ =	shalt  }
0x45: {  	_ =	shalt  }
0x46: {  	_ =	shalt  }
0x47: {  	_ =	shalt  }
0x48: {  	_ =	shalt  }
0x49: {  	_ =	shalt  }
0x4a: {  	_ =	shalt  }
0x4b: {  	_ =	shalt  }
0x4c: {  	_ =	shalt  }
0x4d: {  	_ =	shalt  }
0x4e: {  	_ =	shalt  }
0x4f: {  	_ =	shalt  }
0x50: {  	_ =	shalt  }
0x51: {  	_ =	shalt  }
0x52: {  	_ =	shalt  }
0x53: {  	_ =	shalt  }
0x54: {  	_ =	shalt  }
0x55: {  	_ =	shalt  }
0x56: {  	_ =	shalt  }
0x57: {  	_ =	shalt  }
0x58: {  	_ =	shalt  }
0x59: {  	_ =	shalt  }
0x5a: {  	_ =	shalt  }
0x5b: {  	_ =	shalt  }
0x5c: {  	_ =	shalt  }
0x5d: {  	_ =	shalt  }
0x5e: {  	_ =	shalt  }
0x5f: {  	_ =	shalt  }
0x60: {  	_ =	shalt  }
0x61: {  	_ =	shalt  }
0x62: {  	_ =	shalt  }
0x63: {  	_ =	shalt  }
0x64: {  	_ =	shalt  }
0x65: {  	_ =	shalt  }
0x66: {  	_ =	shalt  }
0x67: {  	_ =	shalt  }
0x68: {  	_ =	shalt  }
0x69: {  	_ =	shalt  }
0x6a: {  	_ =	shalt  }
0x6b: {  	_ =	shalt  }
0x6c: {  	_ =	shalt  }
0x6d: {  	_ =	shalt  }
0x6e: {  	_ =	shalt  }
0x6f: {  	_ =	shalt  }
0x70: {  	_ =	shalt  }
0x71: {  	_ =	shalt  }
0x72: {  	_ =	shalt  }
0x73: {  	_ =	shalt  }
0x74: {  	_ =	shalt  }
0x75: {  	_ =	shalt  }
0x76: {  	_ =	shalt  }
0x77: {  	_ =	shalt  }
0x78: {  	_ =	shalt  }
0x79: {  	_ =	shalt  }
0x7a: {  	_ =	shalt  }
0x7b: {  	_ =	shalt  }
0x7c: {  	_ =	shalt  }
0x7d: {  	_ =	shalt  }
0x7e: {  	_ =	shalt  }
0x7f: {  	_ =	shalt  }
0x80: {  	_ =	shalt  }
0x81: {  	_ =	shalt  }
0x82: {  	_ =	shalt  }
0x83: {  	_ =	shalt  }
0x84: {  	_ =	shalt  }
0x85: {  	_ =	shalt  }
0x86: {  	_ =	shalt  }
0x87: {  	_ =	shalt  }
.Lfunc_end0:
.L_simem_size_0:
called_computation_lowered:
.L_overlay_start_0:
0x88: {  	s2 =	sld [smem:$0x3FD9]  }
0x89: {  	s3 =	sld [smem:$0x3FFE];
	_ =	sdelay $0x1  }
0x8a: {  	s1 =	srdreg.scid  }
0x8b: {  	s0 =	sand.u32 $0x1, s1  }
0x8c: {  	s14 =	sshll.u32 s0, $0xA;
	s2 =	sadd.s32 s3, s2  }
0x8d: {  	s2 =	sadd.s32 s2, s14  }
0x8e: {  	[smem:$0x3FC4] =	sst s2  }
0x8f: {  	_ = 	snop  }
0x90: {  	s2 =	sld [smem:$0x3FD0];
	_ =	sdelay $0x2  }
0x91: {  	s15 =	simm.s32 $0xA;
	s4 =	simm.s32 $0x10  }
0x92: {  	[smem:s4], [sflag:s15] =	dma.local [hbm:s2], $0x1  }
0x93: {  	_ =	swait.eq [sflag:s15], $0x1  }
0x94: {  	[sflag:s15] =	ssyncset.done $0x0  }
0x95: {  	s16 =	sld [smem:$0x11];
	[sflag:s15] =	ssyncadd.s32 $0xFFFFFFFF  }
0x96: {  	s17 =	sld [smem:$0x12];
	(tm) =	ssettm $0x1  }
0x97: {  	s18 =	sld [smem:$0x3FFB];
	_ =	sdelay $0x3  }
0x98: {  	_ =	strace s18  }
0x99: {  	s4 =	sld [smem:$0x3FFC];
	_ =	sdelay $0x3  }
0x9a: {  	_ =	strace s4  }
0x9b: {  	s4 =	sld [smem:$0x3FFD];
	_ =	sdelay $0x3  }
0x9c: {  	_ =	strace s4  }
0x9d: {  	_ =	strace $0x8FFFFFFF  }
0x9e: {  	s19 =	sld [smem:$0x3FDB];
	_ =	sdelay $0x1  }
0x9f: {  	s5 =	simm.s32 $_scs_section_size  }
0xa0: {  	s6 =	simm.s32 $_size__tile_overlayer_lowered;
	s7 =	simm.s32 $_tile_overlayer_lowered  }
0xa1: {  	s22 =	simm.s32 $0x1BFF;
	s21 =	sshll.u32 s7, $0x1;
	s4 =	sadd.s32 s5, s19  }
0xa2: {  	s8 =	simm.s32 $0x0;
	s20 =	sshll.u32 s6, $0x1;
	s6 =	sadd.s32 s21, s4  }
0xa3: {  	[timem:s8], [sflag:s22] =	dma.local [hbm:s6], s20  }
0xa4: {  	_ =	swait.ge [sflag:s22], s20  }
0xa5: {  	s5 =	ssub.s32 $0x0, s20;
	[sflag:s22] =	ssyncset.done $0x0  }
0xa6: {  	[sflag:s22] =	ssyncadd.s32 s5;
	_ =	sdelay $0x1  }
0xa7: {  	s23 =	simm.s32 $0x1B8B  }
0xa8: {  	_ =	swait.ge [sflag:s23], $0x1  }
0xa9: {  	[sflag:s23] =	ssyncset.done $0x0  }
0xaa: {  	s25 =	simm.s32 $0x1B8E;
	s24 =	sld [smem:$0x3FFE];
	[sflag:s23] =	ssyncadd.s32 $0xFFFFFFFF  }
0xab: {  	s26 =	simm.s32 $execute0_lowered;
	[smem:$0x3FD2] =	sst s25  }
0xac: {  	s6 =	sshll.u32 s26, $0x1;
	_ =	strace $0x80000046;
	[dreg:$0x1] =	wrdreg $0xFFFFFFFF  }
0xad: {  	s28 =	simm.s32 $_size_execute0_lowered;
	s4 =	sadd.s32 s4, s6;
	[dreg:$0x0] =	wrdreg $0x0  }
0xae: {  	s6 =	sshll.u32 s28, $0x1;
	[dreg:$0x2] =	wrdreg s4  }
0xaf: {  	[dreg:$0x3] =	wrdreg s6  }
0xb0: {  	[dreg:$0x4] =	wrdreg $0xC0  }
0xb1: {  	_ =	task [dreg:s8], $0x5FFFF  }
0xb2: {  	[dreg:$0x1] =	wrdreg $0xFFFFFFFF  }
0xb3: {  	[dreg:$0x0] =	wrdreg $0x60  }
0xb4: {  	[dreg:$0x2] =	wrdreg s17  }
0xb5: {  	[dreg:$0x3] =	wrdreg s16  }
0xb6: {  	[dreg:$0x4] =	wrdreg s24  }
0xb7: {  	[dreg:$0x5] =	wrdreg $0x0  }
0xb8: {  	[dreg:$0x6] =	wrdreg $0x9  }
0xb9: {  	_ =	task.clear_ibuf [dreg:s8], $0x7FFFF;
	_ =	strace $0x90000046  }
0xba: {  	s29 =	simm.s32 $0x9;
	_ =	strace $0x80000048  }
0xbb: {  	_ =	swait.ge [sflag:s29], $0x1  }
0xbc: {  	[sflag:s29] =	ssyncadd.s32 $0xFFFFFFFF  }
0xbd: {  	_ =	strace $0x90000048  }
0xbe: {  	_ =	sfence  }
0xbf: {  	s30 =	sld [smem:$0x0];
	_ =	sdelay $0x2  }
0xc0: {  	s31 =	sshll.u32 s1, $0xD;
	s1 =	sshrl.u32 s1, $0x2  }
0xc1: {  	s3 =	sand.u32 $0x4000, s31;
	s1 =	sadd.s32 s1, s30  }
0xc2: {  	s0 =	sor.u32 s3, s0;
	s1 =	sshll.u32 s1, $0x11  }
0xc3: {  	s0 =	sor.u32 s1, s0  }
0xc4: {  	s0 =	sadd.s32 $0x8F2B, s0  }
0xc5: {  	[sflag:s0] =	ssyncadd.remote.s32 $0x1  }
0xc6: {  	_ =	sfence.sel $0xFFFF  }
0xc7: {  	[dreg:$0x0] =	wrdreg $0xFFFFFFFF;
	(pc) =	sbr.abs _section_cstart, $3  }
0xc8: {  	[dreg:$0x1] =	wrdreg $0xFFFFFFFF  }
0xc9: {  	_ =	task.clear_ibuf [dreg:s8], $0x2FFFF;
	_ =	strace $0x9FFFFFFF  }
0xca: {  	(tm) =	ssettm $0x7FFFFFFF  }
0xcb: {  	_ =	shalt  }
tec
execute0_lowered:
.L_overlay_start_1:
0x0: {  	(tag) =	ssettag $0x1  }
0x1: {  	s3 =	srdreg.scid;
	s4 =	stileid.u32  }
0x2: {  	s3 =	sand.u32 $0x1, s3;
	s5 =	sshll.u32 s4, $0x1  }
0x3: {  	s5 =	sor.u32 s3, s5  }
0x4: {  	s0 =	rddreg [dreg:$0x1];
	s6 =	smul.u32 $0xD000, s5  }
0x5: {  	s1 =	rddreg [dreg:$0x2];
	s5 =	smul.u32 $0x1A0, s5  }
0x6: {  	s2 =	rddreg [dreg:$0x3];
	s7 =	simm.s32 $0x0  }
0x7: {  	[smem:$0x7FF] =	sst s7;
	s1 =	sadd.s32 s6, s1;
	s0 =	sadd.s32 s0, s5  }
0x8: {  	_ =	strace $0x80000047;
	[dreg:$0x5] =	wrdreg s0;
	s5 =	sadd.s32 $0x1200, s1  }
0x9: {  	s6 =	sadd.s32 $0x1280, s1;
	[dreg:$0x6] =	wrdreg s5  }
0xa: {  	s7 =	sadd.s32 $0x1300, s1;
	[dreg:$0x7] =	wrdreg s6  }
0xb: {  	s8 =	sadd.s32 $0x1380, s1;
	[dreg:$0x8] =	wrdreg s7  }
0xc: {  	s9 =	sadd.s32 $0x1400, s1;
	[dreg:$0x9] =	wrdreg s8  }
0xd: {  	s10 =	sadd.s32 $0x1480, s1;
	[dreg:$0xa] =	wrdreg s9  }
0xe: {  	s11 =	sadd.s32 $0x1500, s1;
	[dreg:$0xb] =	wrdreg s10  }
0xf: {  	s12 =	sadd.s32 $0x1580, s1;
	[dreg:$0xc] =	wrdreg s11  }
0x10: {  	s13 =	sadd.s32 $0x1600, s1;
	[dreg:$0xd] =	wrdreg s12  }
0x11: {  	s14 =	sadd.s32 $0x1680, s1;
	[dreg:$0xe] =	wrdreg s13  }
0x12: {  	s15 =	sadd.s32 $0x1700, s1;
	[dreg:$0xf] =	wrdreg s14  }
0x13: {  	s16 =	sadd.s32 $0x1780, s1;
	[dreg:$0x10] =	wrdreg s15  }
0x14: {  	s17 =	sadd.s32 $0x1800, s1;
	[dreg:$0x11] =	wrdreg s16  }
0x15: {  	s18 =	sadd.s32 $0x1880, s1;
	[dreg:$0x12] =	wrdreg s17  }
0x16: {  	s19 =	sadd.s32 $0x1900, s1;
	[dreg:$0x13] =	wrdreg s18  }
0x17: {  	s20 =	sadd.s32 $0x1980, s1;
	[dreg:$0x14] =	wrdreg s19  }
0x18: {  	p0 =	sne.s32 s4, $0x0;
	s21 =	sadd.s32 $0x1A00, s1;
	[dreg:$0x15] =	wrdreg s20  }
0x19: {  	s4 =	simm.s32 $0x80;
	s22 =	sadd.s32 $0x1A80, s1;
	[dreg:$0x16] =	wrdreg s21  }
0x1a: {  	s3 =	ssub.s32 $0x2, s3;
	s23 =	sadd.s32 $0x1B00, s1;
	[dreg:$0x17] =	wrdreg s22  }
0x1b: {  	s29 =	sshrl.u32 s3, $0x1;
	s24 =	sadd.s32 $0x1B80, s1;
	[dreg:$0x18] =	wrdreg s23  }
0x1c: {  	s3 =	ssub.s32 s3, s29;
	s25 =	sadd.s32 $0x1C00, s1;
	[dreg:$0x19] =	wrdreg s24  }
0x1d: {  	s26 =	sadd.s32 $0x1C80, s1;
	s28 =	sadd.s32 $0x1D00, s1;
	[dreg:$0x1a] =	wrdreg s25  }
0x1e: {  	s29 =	sadd.s32 $0x1D80, s1;
	s30 =	sadd.s32 $0x1E00, s1;
	[dreg:$0x1b] =	wrdreg s26  }
0x1f: {  	s31 =	sadd.s32 $0x1E80, s1;
	s1 =	smax.u32 s3, $0x1;
	[dreg:$0x1c] =	wrdreg s28  }
0x20: {  	s0 =	simm.s32 $0xD;
	s3 =	simm.s32 $0x5E40;
	[dreg:$0x1d] =	wrdreg s29  }
0x21: {  	s5 =	simm.s32 $0x6B40;
	s6 =	simm.s32 $0xAB40;
	s7 =	simm.s32 $0xEB40  }
0x22: {  	s8 =	simm.s32 $0x12B40;
	s9 =	simm.s32 $0x1;
	s10 =	simm.s32 $0x400  }
0x23: {  	s11 =	simm.s32 $0x6800;
	s12 =	simm.s32 $0x16B40;
	s13 =	simm.s32 $0x2  }
0x24: {  	s14 =	simm.s32 $0x1AB40;
	s15 =	simm.s32 $0x3;
	s16 =	simm.s32 $0x7  }
0x25: {  	s17 =	simm.s32 $0x4;
	s18 =	simm.s32 $0x8;
	s19 =	simm.s32 $0x5  }
0x26: {  	s20 =	simm.s32 $0x9;
	s21 =	simm.s32 $0x6;
	s22 =	simm.s32 $0xA  }
0x27: {  	v0 =	vlaneseq.u32;
	s23 =	simm.s32 $0xB;
	s24 =	simm.s32 $0xC;
	s25 =	simm.s32 $0x0  }
.LBB2_1:
0x28: {  	s26 =	sshrl.u32 @!p0 s2, $0x3;
	s28 =	simm.s32 @!p0 $0x1C0D;
	s29 =	rddreg [dreg:$0x0]  }
0x29: {  	[spmem:s26], [sflag:s28] =	dma.local @!p0 [hbm:s29], $0xA280  }
0x2a: {  	s26 =	simm.s32 @!p0 $0xD  }
0x2b: {  	s28 =	simm.s32 $0x0;
	_ =	swait.ge @!p0 [sflag:s26], $0xA280  }
0x2c: {  	v2 =	vor.u32 s28, v0;
	[sflag:s26] =	ssyncset.done @!p0 $0x0  }
0x2d: {  	v1 =	vmul.u32 $0x9D9, v2;
	s29 =	rddreg [dreg:$0x5];
	[sflag:s26] =	ssyncadd.s32 @!p0 $0xFFFF5D80;
	s26 =	simm.s32 $0x5140  }
0x2e: {  	[tilespmem:s26], [sflag:$0xD] =	stream.linear.gather [hbm4b:s29+s28], $0xD00, $0x38;
	[tilespmem:$0x1EB40] =	vst v63  }
0x2f: {  	v1 =	vshrl.u32 v1, $0x10;
	_ =	swait.ge [sflag:s0], $0xD00  }
0x30: {  	v3 =	vmul.u32 $0xFFFFFFE6, v1;
	[sflag:s0] =	ssyncset.done $0x0  }
0x31: {  	[sflag:s0] =	ssyncadd.s32 $0xFFFFF300  }
0x32: {  	s28 =	simm.s32 $0x10;
	v3 =	vadd.s32 v2, v3;
	[bflag:$0x0] =	sbarrier.arrive $0xFFFF  }
0x33: {  	v2 =	vor.u32 s28, v0;
	s28 =	simm.s32 $0x20;
	v5 =	vshll.u32 v3, $0x7;
	v4 =	vld [tilespmem:s26+$0x0]  }
.LBB2_2:
0x34: {  	p1 =	sne.s32 s28, $0xCF0;
	v6 =	vmul.u32 $0x9D9, v2;
	v5 =	vadd.s32 v1, v5;
	_ =	sdelay $0x1  }
.Ltmp0:
0x35: {  	v3 =	vmul.u32 $0x64, v3;
	v1 =	vshrl.u32 v6, $0x10;
	(pc) =	sbr.rel @p1 .LBB2_2-.Ltmp0, $4  }
0x36: {  	v6 =	vmul.u32 $0xFFFFFFE6, v1  }
0x37: {  	v4 =	vadd.s32 v3, v4  }
0x38: {  	s26 =	sadd.s32 $0x10, s26;
	v3 =	vadd.s32 v2, v6;
	[tilespmem:v5+s3+$0x0] =	vst.idx.msk $0xffff, v4  }
0x39: {  	v2 =	vor.u32 s28, v0;
	s28 =	sadd.s32 $0x10, s28;
	v4 =	vld [tilespmem:s26+$0x0];
	v5 =	vshll.u32 v3, $0x7  }
0x3a: {  	v6 =	vmul.u32 $0x9D9, v2;
	v1 =	vadd.s32 v1, v5;
	_ =	sdelay $0x1  }
0x3b: {  	v3 =	vmul.u32 $0x64, v3;
	v63 =	vshrl.u32 v6, $0x10  }
0x3c: {  	v6 =	vmul.u32 $0xFFFFFFE6, v63  }
0x3d: {  	v3 =	vadd.s32 v3, v4  }
0x3e: {  	s26 =	sadd.s32 $0x10, s26;
	v2 =	vadd.s32 v2, v6;
	[tilespmem:v1+s3+$0x0] =	vst.idx.msk $0xffff, v3  }
0x3f: {  	v1 =	vld [tilespmem:s26+$0x0];
	v3 =	vshll.u32 v2, $0x7  }
0x40: {  	v3 =	vadd.s32 v63, v3;
	_ =	sdelay $0x1  }
0x41: {  	v2 =	vmul.u32 $0x64, v2;
	_ =	sdelay $0x1  }
0x42: {  	v1 =	vadd.s32 v2, v1  }
0x43: {  	[tilespmem:v3+s3+$0x0] =	vst.idx.msk $0xffff, v1  }
0x44: {  	[tilespmem:s5], [sflag:$0x1] =	stream.indirect.gather [spmem:s2], $0x80, s3, s4, $0xb8;
	[tilespmem:$0x1EB40] =	vst v63  }
0x45: {  	s29 =	simm.s32 $0x5EC0  }
0x46: {  	[tilespmem:s6], [sflag:$0x2] =	stream.indirect.gather [spmem:s2], $0x80, s29, s4, $0xb8;
	[tilespmem:$0x1EB40] =	vst v63  }
0x47: {  	s28 =	simm.s32 $0x5F40  }
0x48: {  	[tilespmem:s7], [sflag:$0x3] =	stream.indirect.gather [spmem:s2], $0x80, s28, s4, $0xb8;
	[tilespmem:$0x1EB40] =	vst v63  }
0x49: {  	s29 =	simm.s32 $0x5FC0  }
0x4a: {  	[tilespmem:s8], [sflag:$0x4] =	stream.indirect.gather [spmem:s2], $0x80, s29, s4, $0xb8;
	[tilespmem:$0x1EB40] =	vst v63  }
0x4b: {  	_ =	swait.ge [sflag:s9], $0x4000  }
0x4c: {  	[sflag:s9] =	ssyncset.done $0x0  }
0x4d: {  	s28 =	rddreg [dreg:$0x6];
	[sflag:s9] =	ssyncadd.s32 $0xFFFFC000  }
0x4e: {  	[hbm4b:s28+s10] =	stream.strided.scatter [tilespmem:s5], [sflag:$0x7], $0x4000, s11, s10, $0x38;
	[tilespmem:$0x1EB40] =	vst v63  }
0x4f: {  	s29 =	simm.s32 $0x6040  }
0x50: {  	[tilespmem:s12], [sflag:$0x5] =	stream.indirect.gather [spmem:s2], $0x80, s29, s4, $0xb8;
	[tilespmem:$0x1EB40] =	vst v63  }
0x51: {  	_ =	swait.ge [sflag:s13], $0x4000  }
0x52: {  	[sflag:s13] =	ssyncset.done $0x0  }
0x53: {  	s28 =	rddreg [dreg:$0x7];
	[sflag:s13] =	ssyncadd.s32 $0xFFFFC000  }
0x54: {  	[hbm4b:s28+s10] =	stream.strided.scatter [tilespmem:s6], [sflag:$0x8], $0x4000, s11, s10, $0x38;
	[tilespmem:$0x1EB40] =	vst v63  }
0x55: {  	s29 =	simm.s32 $0x60C0  }
0x56: {  	[tilespmem:s14], [sflag:$0x6] =	stream.indirect.gather [spmem:s2], $0x80, s29, s4, $0xb8;
	[tilespmem:$0x1EB40] =	vst v63  }
0x57: {  	_ =	swait.ge [sflag:s15], $0x4000  }
0x58: {  	[sflag:s15] =	ssyncset.done $0x0  }
0x59: {  	s28 =	rddreg [dreg:$0x8];
	[sflag:s15] =	ssyncadd.s32 $0xFFFFC000  }
0x5a: {  	[hbm4b:s28+s10] =	stream.strided.scatter [tilespmem:s7], [sflag:$0x9], $0x4000, s11, s10, $0x38;
	[tilespmem:$0x1EB40] =	vst v63  }
0x5b: {  	_ =	swait.ge [sflag:s16], $0x4000  }
0x5c: {  	[sflag:s16] =	ssyncset.done $0x0  }
0x5d: {  	s29 =	simm.s32 $0x6140;
	[sflag:s16] =	ssyncadd.s32 $0xFFFFC000  }
0x5e: {  	[tilespmem:s5], [sflag:$0x1] =	stream.indirect.gather [spmem:s2], $0x80, s29, s4, $0xb8;
	[tilespmem:$0x1EB40] =	vst v63  }
0x5f: {  	_ =	swait.ge [sflag:s17], $0x4000  }
0x60: {  	[sflag:s17] =	ssyncset.done $0x0  }
0x61: {  	s28 =	rddreg [dreg:$0x9];
	[sflag:s17] =	ssyncadd.s32 $0xFFFFC000  }
0x62: {  	[hbm4b:s28+s10] =	stream.strided.scatter [tilespmem:s8], [sflag:$0xA], $0x4000, s11, s10, $0x38;
	[tilespmem:$0x1EB40] =	vst v63  }
0x63: {  	_ =	swait.ge [sflag:s18], $0x4000  }
0x64: {  	[sflag:s18] =	ssyncset.done $0x0  }
0x65: {  	s29 =	simm.s32 $0x61C0;
	[sflag:s18] =	ssyncadd.s32 $0xFFFFC000  }
0x66: {  	[tilespmem:s6], [sflag:$0x2] =	stream.indirect.gather [spmem:s2], $0x80, s29, s4, $0xb8;
	[tilespmem:$0x1EB40] =	vst v63  }
0x67: {  	_ =	swait.ge [sflag:s19], $0x4000  }
0x68: {  	[sflag:s19] =	ssyncset.done $0x0  }
0x69: {  	s28 =	rddreg [dreg:$0xa];
	[sflag:s19] =	ssyncadd.s32 $0xFFFFC000  }
0x6a: {  	[hbm4b:s28+s10] =	stream.strided.scatter [tilespmem:s12], [sflag:$0xB], $0x4000, s11, s10, $0x38;
	[tilespmem:$0x1EB40] =	vst v63  }
0x6b: {  	_ =	swait.ge [sflag:s20], $0x4000  }
0x6c: {  	[sflag:s20] =	ssyncset.done $0x0  }
0x6d: {  	s29 =	simm.s32 $0x6240;
	[sflag:s20] =	ssyncadd.s32 $0xFFFFC000  }
0x6e: {  	[tilespmem:s7], [sflag:$0x3] =	stream.indirect.gather [spmem:s2], $0x80, s29, s4, $0xb8;
	[tilespmem:$0x1EB40] =	vst v63  }
0x6f: {  	_ =	swait.ge [sflag:s21], $0x4000  }
0x70: {  	[sflag:s21] =	ssyncset.done $0x0  }
0x71: {  	s28 =	rddreg [dreg:$0xb];
	[sflag:s21] =	ssyncadd.s32 $0xFFFFC000  }
0x72: {  	[hbm4b:s28+s10] =	stream.strided.scatter [tilespmem:s14], [sflag:$0xC], $0x4000, s11, s10, $0x38;
	[tilespmem:$0x1EB40] =	vst v63  }
0x73: {  	_ =	swait.ge [sflag:s22], $0x4000  }
0x74: {  	[sflag:s22] =	ssyncset.done $0x0  }
0x75: {  	s29 =	simm.s32 $0x62C0;
	[sflag:s22] =	ssyncadd.s32 $0xFFFFC000  }
0x76: {  	[tilespmem:s8], [sflag:$0x4] =	stream.indirect.gather [spmem:s2], $0x80, s29, s4, $0xb8;
	[tilespmem:$0x1EB40] =	vst v63  }
0x77: {  	_ =	swait.ge [sflag:s9], $0x4000  }
0x78: {  	[sflag:s9] =	ssyncset.done $0x0  }
0x79: {  	s28 =	rddreg [dreg:$0xc];
	[sflag:s9] =	ssyncadd.s32 $0xFFFFC000  }
0x7a: {  	[hbm4b:s28+s10] =	stream.strided.scatter [tilespmem:s5], [sflag:$0x7], $0x4000, s11, s10, $0x38;
	[tilespmem:$0x1EB40] =	vst v63  }
0x7b: {  	_ =	swait.ge [sflag:s23], $0x4000  }
0x7c: {  	[sflag:s23] =	ssyncset.done $0x0  }
0x7d: {  	s29 =	simm.s32 $0x6340;
	[sflag:s23] =	ssyncadd.s32 $0xFFFFC000  }
0x7e: {  	[tilespmem:s12], [sflag:$0x5] =	stream.indirect.gather [spmem:s2], $0x80, s29, s4, $0xb8;
	[tilespmem:$0x1EB40] =	vst v63  }
0x7f: {  	_ =	swait.ge [sflag:s13], $0x4000  }
0x80: {  	[sflag:s13] =	ssyncset.done $0x0  }
0x81: {  	s28 =	rddreg [dreg:$0xd];
	[sflag:s13] =	ssyncadd.s32 $0xFFFFC000  }
0x82: {  	[hbm4b:s28+s10] =	stream.strided.scatter [tilespmem:s6], [sflag:$0x8], $0x4000, s11, s10, $0x38;
	[tilespmem:$0x1EB40] =	vst v63  }
0x83: {  	_ =	swait.ge [sflag:s24], $0x4000  }
0x84: {  	[sflag:s24] =	ssyncset.done $0x0  }
0x85: {  	s29 =	simm.s32 $0x63C0;
	[sflag:s24] =	ssyncadd.s32 $0xFFFFC000  }
0x86: {  	[tilespmem:s14], [sflag:$0x6] =	stream.indirect.gather [spmem:s2], $0x80, s29, s4, $0xb8;
	[tilespmem:$0x1EB40] =	vst v63  }
0x87: {  	_ =	swait.ge [sflag:s15], $0x4000  }
0x88: {  	[sflag:s15] =	ssyncset.done $0x0  }
0x89: {  	s28 =	rddreg [dreg:$0xe];
	[sflag:s15] =	ssyncadd.s32 $0xFFFFC000  }
0x8a: {  	[hbm4b:s28+s10] =	stream.strided.scatter [tilespmem:s7], [sflag:$0x9], $0x4000, s11, s10, $0x38;
	[tilespmem:$0x1EB40] =	vst v63  }
0x8b: {  	_ =	swait.ge [sflag:s16], $0x4000  }
0x8c: {  	[sflag:s16] =	ssyncset.done $0x0  }
0x8d: {  	s29 =	simm.s32 $0x6440;
	[sflag:s16] =	ssyncadd.s32 $0xFFFFC000  }
0x8e: {  	[tilespmem:s5], [sflag:$0x1] =	stream.indirect.gather [spmem:s2], $0x80, s29, s4, $0xb8;
	[tilespmem:$0x1EB40] =	vst v63  }
0x8f: {  	_ =	swait.ge [sflag:s17], $0x4000  }
0x90: {  	[sflag:s17] =	ssyncset.done $0x0  }
0x91: {  	s28 =	rddreg [dreg:$0xf];
	[sflag:s17] =	ssyncadd.s32 $0xFFFFC000  }
0x92: {  	[hbm4b:s28+s10] =	stream.strided.scatter [tilespmem:s8], [sflag:$0xA], $0x4000, s11, s10, $0x38;
	[tilespmem:$0x1EB40] =	vst v63  }
0x93: {  	_ =	swait.ge [sflag:s18], $0x4000  }
0x94: {  	[sflag:s18] =	ssyncset.done $0x0  }
0x95: {  	s29 =	simm.s32 $0x64C0;
	[sflag:s18] =	ssyncadd.s32 $0xFFFFC000  }
0x96: {  	[tilespmem:s6], [sflag:$0x2] =	stream.indirect.gather [spmem:s2], $0x80, s29, s4, $0xb8;
	[tilespmem:$0x1EB40] =	vst v63  }
0x97: {  	_ =	swait.ge [sflag:s19], $0x4000  }
0x98: {  	[sflag:s19] =	ssyncset.done $0x0  }
0x99: {  	s28 =	rddreg [dreg:$0x10];
	[sflag:s19] =	ssyncadd.s32 $0xFFFFC000  }
0x9a: {  	[hbm4b:s28+s10] =	stream.strided.scatter [tilespmem:s12], [sflag:$0xB], $0x4000, s11, s10, $0x38;
	[tilespmem:$0x1EB40] =	vst v63  }
0x9b: {  	_ =	swait.ge [sflag:s20], $0x4000  }
0x9c: {  	[sflag:s20] =	ssyncset.done $0x0  }
0x9d: {  	s29 =	simm.s32 $0x6540;
	[sflag:s20] =	ssyncadd.s32 $0xFFFFC000  }
0x9e: {  	[tilespmem:s7], [sflag:$0x3] =	stream.indirect.gather [spmem:s2], $0x80, s29, s4, $0xb8;
	[tilespmem:$0x1EB40] =	vst v63  }
0x9f: {  	_ =	swait.ge [sflag:s21], $0x4000  }
0xa0: {  	[sflag:s21] =	ssyncset.done $0x0  }
0xa1: {  	s28 =	rddreg [dreg:$0x11];
	[sflag:s21] =	ssyncadd.s32 $0xFFFFC000  }
0xa2: {  	[hbm4b:s28+s10] =	stream.strided.scatter [tilespmem:s14], [sflag:$0xC], $0x4000, s11, s10, $0x38;
	[tilespmem:$0x1EB40] =	vst v63  }
0xa3: {  	_ =	swait.ge [sflag:s22], $0x4000  }
0xa4: {  	[sflag:s22] =	ssyncset.done $0x0  }
0xa5: {  	s29 =	simm.s32 $0x65C0;
	[sflag:s22] =	ssyncadd.s32 $0xFFFFC000  }
0xa6: {  	[tilespmem:s8], [sflag:$0x4] =	stream.indirect.gather [spmem:s2], $0x80, s29, s4, $0xb8;
	[tilespmem:$0x1EB40] =	vst v63  }
0xa7: {  	_ =	swait.ge [sflag:s9], $0x4000  }
0xa8: {  	[sflag:s9] =	ssyncset.done $0x0  }
0xa9: {  	s28 =	rddreg [dreg:$0x12];
	[sflag:s9] =	ssyncadd.s32 $0xFFFFC000  }
0xaa: {  	[hbm4b:s28+s10] =	stream.strided.scatter [tilespmem:s5], [sflag:$0x7], $0x4000, s11, s10, $0x38;
	[tilespmem:$0x1EB40] =	vst v63  }
0xab: {  	_ =	swait.ge [sflag:s23], $0x4000  }
0xac: {  	[sflag:s23] =	ssyncset.done $0x0  }
0xad: {  	s29 =	simm.s32 $0x6640;
	[sflag:s23] =	ssyncadd.s32 $0xFFFFC000  }
0xae: {  	[tilespmem:s12], [sflag:$0x5] =	stream.indirect.gather [spmem:s2], $0x80, s29, s4, $0xb8;
	[tilespmem:$0x1EB40] =	vst v63  }
0xaf: {  	_ =	swait.ge [sflag:s13], $0x4000  }
0xb0: {  	[sflag:s13] =	ssyncset.done $0x0  }
0xb1: {  	s28 =	rddreg [dreg:$0x13];
	[sflag:s13] =	ssyncadd.s32 $0xFFFFC000  }
0xb2: {  	[hbm4b:s28+s10] =	stream.strided.scatter [tilespmem:s6], [sflag:$0x8], $0x4000, s11, s10, $0x38;
	[tilespmem:$0x1EB40] =	vst v63  }
0xb3: {  	_ =	swait.ge [sflag:s24], $0x4000  }
0xb4: {  	[sflag:s24] =	ssyncset.done $0x0  }
0xb5: {  	s29 =	simm.s32 $0x66C0;
	[sflag:s24] =	ssyncadd.s32 $0xFFFFC000  }
0xb6: {  	[tilespmem:s14], [sflag:$0x6] =	stream.indirect.gather [spmem:s2], $0x80, s29, s4, $0xb8;
	[tilespmem:$0x1EB40] =	vst v63  }
0xb7: {  	_ =	swait.ge [sflag:s15], $0x4000  }
0xb8: {  	[sflag:s15] =	ssyncset.done $0x0  }
0xb9: {  	s28 =	rddreg [dreg:$0x14];
	[sflag:s15] =	ssyncadd.s32 $0xFFFFC000  }
0xba: {  	[hbm4b:s28+s10] =	stream.strided.scatter [tilespmem:s7], [sflag:$0x9], $0x4000, s11, s10, $0x38;
	[tilespmem:$0x1EB40] =	vst v63  }
0xbb: {  	_ =	swait.ge [sflag:s16], $0x4000  }
0xbc: {  	[sflag:s16] =	ssyncset.done $0x0  }
0xbd: {  	s29 =	simm.s32 $0x6740;
	[sflag:s16] =	ssyncadd.s32 $0xFFFFC000  }
0xbe: {  	[tilespmem:s5], [sflag:$0x1] =	stream.indirect.gather [spmem:s2], $0x80, s29, s4, $0xb8;
	[tilespmem:$0x1EB40] =	vst v63  }
0xbf: {  	_ =	swait.ge [sflag:s17], $0x4000  }
0xc0: {  	[sflag:s17] =	ssyncset.done $0x0  }
0xc1: {  	s28 =	rddreg [dreg:$0x15];
	[sflag:s17] =	ssyncadd.s32 $0xFFFFC000  }
0xc2: {  	[hbm4b:s28+s10] =	stream.strided.scatter [tilespmem:s8], [sflag:$0xA], $0x4000, s11, s10, $0x38;
	[tilespmem:$0x1EB40] =	vst v63  }
0xc3: {  	_ =	swait.ge [sflag:s18], $0x4000  }
0xc4: {  	[sflag:s18] =	ssyncset.done $0x0  }
0xc5: {  	s29 =	simm.s32 $0x67C0;
	[sflag:s18] =	ssyncadd.s32 $0xFFFFC000  }
0xc6: {  	[tilespmem:s6], [sflag:$0x2] =	stream.indirect.gather [spmem:s2], $0x80, s29, s4, $0xb8;
	[tilespmem:$0x1EB40] =	vst v63  }
0xc7: {  	_ =	swait.ge [sflag:s19], $0x4000  }
0xc8: {  	[sflag:s19] =	ssyncset.done $0x0  }
0xc9: {  	s28 =	rddreg [dreg:$0x16];
	[sflag:s19] =	ssyncadd.s32 $0xFFFFC000  }
0xca: {  	[hbm4b:s28+s10] =	stream.strided.scatter [tilespmem:s12], [sflag:$0xB], $0x4000, s11, s10, $0x38;
	[tilespmem:$0x1EB40] =	vst v63  }
0xcb: {  	_ =	swait.ge [sflag:s20], $0x4000  }
0xcc: {  	[sflag:s20] =	ssyncset.done $0x0  }
0xcd: {  	s29 =	simm.s32 $0x6840;
	[sflag:s20] =	ssyncadd.s32 $0xFFFFC000  }
0xce: {  	[tilespmem:s7], [sflag:$0x3] =	stream.indirect.gather [spmem:s2], $0x80, s29, s4, $0xb8;
	[tilespmem:$0x1EB40] =	vst v63  }
0xcf: {  	_ =	swait.ge [sflag:s21], $0x4000  }
0xd0: {  	[sflag:s21] =	ssyncset.done $0x0  }
0xd1: {  	s28 =	rddreg [dreg:$0x17];
	[sflag:s21] =	ssyncadd.s32 $0xFFFFC000  }
0xd2: {  	[hbm4b:s28+s10] =	stream.strided.scatter [tilespmem:s14], [sflag:$0xC], $0x4000, s11, s10, $0x38;
	[tilespmem:$0x1EB40] =	vst v63  }
0xd3: {  	_ =	swait.ge [sflag:s22], $0x4000  }
0xd4: {  	[sflag:s22] =	ssyncset.done $0x0  }
0xd5: {  	s29 =	simm.s32 $0x68C0;
	[sflag:s22] =	ssyncadd.s32 $0xFFFFC000  }
0xd6: {  	[tilespmem:s8], [sflag:$0x4] =	stream.indirect.gather [spmem:s2], $0x80, s29, s4, $0xb8;
	[tilespmem:$0x1EB40] =	vst v63  }
0xd7: {  	_ =	swait.ge [sflag:s9], $0x4000  }
0xd8: {  	[sflag:s9] =	ssyncset.done $0x0  }
0xd9: {  	s28 =	rddreg [dreg:$0x18];
	[sflag:s9] =	ssyncadd.s32 $0xFFFFC000  }
0xda: {  	[hbm4b:s28+s10] =	stream.strided.scatter [tilespmem:s5], [sflag:$0x7], $0x4000, s11, s10, $0x38;
	[tilespmem:$0x1EB40] =	vst v63  }
0xdb: {  	_ =	swait.ge [sflag:s23], $0x4000  }
0xdc: {  	[sflag:s23] =	ssyncset.done $0x0  }
0xdd: {  	s29 =	simm.s32 $0x6940;
	[sflag:s23] =	ssyncadd.s32 $0xFFFFC000  }
0xde: {  	[tilespmem:s12], [sflag:$0x5] =	stream.indirect.gather [spmem:s2], $0x80, s29, s4, $0xb8;
	[tilespmem:$0x1EB40] =	vst v63  }
0xdf: {  	_ =	swait.ge [sflag:s13], $0x4000  }
0xe0: {  	[sflag:s13] =	ssyncset.done $0x0  }
0xe1: {  	s28 =	rddreg [dreg:$0x19];
	[sflag:s13] =	ssyncadd.s32 $0xFFFFC000  }
0xe2: {  	[hbm4b:s28+s10] =	stream.strided.scatter [tilespmem:s6], [sflag:$0x8], $0x4000, s11, s10, $0x38;
	[tilespmem:$0x1EB40] =	vst v63  }
0xe3: {  	_ =	swait.ge [sflag:s24], $0x4000  }
0xe4: {  	[sflag:s24] =	ssyncset.done $0x0  }
0xe5: {  	s29 =	simm.s32 $0x69C0;
	[sflag:s24] =	ssyncadd.s32 $0xFFFFC000  }
0xe6: {  	[tilespmem:s14], [sflag:$0x6] =	stream.indirect.gather [spmem:s2], $0x80, s29, s4, $0xb8;
	[tilespmem:$0x1EB40] =	vst v63  }
0xe7: {  	_ =	swait.ge [sflag:s15], $0x4000  }
0xe8: {  	[sflag:s15] =	ssyncset.done $0x0  }
0xe9: {  	s28 =	rddreg [dreg:$0x1a];
	[sflag:s15] =	ssyncadd.s32 $0xFFFFC000  }
0xea: {  	[hbm4b:s28+s10] =	stream.strided.scatter [tilespmem:s7], [sflag:$0x9], $0x4000, s11, s10, $0x38;
	[tilespmem:$0x1EB40] =	vst v63  }
0xeb: {  	_ =	swait.ge [sflag:s16], $0x4000  }
0xec: {  	[sflag:s16] =	ssyncset.done $0x0  }
0xed: {  	s29 =	simm.s32 $0x6A40;
	[sflag:s16] =	ssyncadd.s32 $0xFFFFC000  }
0xee: {  	[tilespmem:s5], [sflag:$0x1] =	stream.indirect.gather [spmem:s2], $0x80, s29, s4, $0xb8;
	[tilespmem:$0x1EB40] =	vst v63  }
0xef: {  	_ =	swait.ge [sflag:s17], $0x4000  }
0xf0: {  	[sflag:s17] =	ssyncset.done $0x0  }
0xf1: {  	s28 =	rddreg [dreg:$0x1b];
	[sflag:s17] =	ssyncadd.s32 $0xFFFFC000  }
0xf2: {  	[hbm4b:s28+s10] =	stream.strided.scatter [tilespmem:s8], [sflag:$0xA], $0x4000, s11, s10, $0x38;
	[tilespmem:$0x1EB40] =	vst v63  }
0xf3: {  	_ =	swait.ge [sflag:s18], $0x4000  }
0xf4: {  	[sflag:s18] =	ssyncset.done $0x0  }
0xf5: {  	s29 =	simm.s32 $0x6AC0;
	[sflag:s18] =	ssyncadd.s32 $0xFFFFC000  }
0xf6: {  	[tilespmem:s6], [sflag:$0x2] =	stream.indirect.gather [spmem:s2], $0x80, s29, s4, $0xb8;
	[tilespmem:$0x1EB40] =	vst v63  }
0xf7: {  	_ =	swait.ge [sflag:s19], $0x4000  }
0xf8: {  	[sflag:s19] =	ssyncset.done $0x0  }
0xf9: {  	s28 =	rddreg [dreg:$0x1c];
	[sflag:s19] =	ssyncadd.s32 $0xFFFFC000  }
0xfa: {  	[hbm4b:s28+s10] =	stream.strided.scatter [tilespmem:s12], [sflag:$0xB], $0x4000, s11, s10, $0x38;
	[tilespmem:$0x1EB40] =	vst v63  }
0xfb: {  	_ =	swait.ge [sflag:s21], $0x4000  }
0xfc: {  	[sflag:s21] =	ssyncset.done $0x0  }
0xfd: {  	s29 =	rddreg [dreg:$0x1d];
	[sflag:s21] =	ssyncadd.s32 $0xFFFFC000  }
0xfe: {  	[hbm4b:s29+s10] =	stream.strided.scatter [tilespmem:s14], [sflag:$0xC], $0x4000, s11, s10, $0x38;
	[tilespmem:$0x1EB40] =	vst v63  }
0xff: {  	_ =	swait.ge [sflag:s9], $0x4000  }
0x100: {  	[sflag:s9] =	ssyncset.done $0x0  }
0x101: {  	[sflag:s9] =	ssyncadd.s32 $0xFFFFC000  }
0x102: {  	[hbm4b:s30+s10] =	stream.strided.scatter [tilespmem:s5], [sflag:$0x7], $0x4000, s11, s10, $0x38;
	[tilespmem:$0x1EB40] =	vst v63  }
0x103: {  	_ =	swait.ge [sflag:s13], $0x4000  }
0x104: {  	[sflag:s13] =	ssyncset.done $0x0  }
0x105: {  	[sflag:s13] =	ssyncadd.s32 $0xFFFFC000  }
0x106: {  	[hbm4b:s31+s10] =	stream.strided.scatter [tilespmem:s6], [sflag:$0x8], $0x4000, s11, s10, $0x38;
	[tilespmem:$0x1EB40] =	vst v63  }
0x107: {  	_ =	swait.ge [sflag:s20], $0x4000  }
0x108: {  	[sflag:s20] =	ssyncset.done $0x0  }
0x109: {  	[sflag:s20] =	ssyncadd.s32 $0xFFFFC000  }
0x10a: {  	_ =	swait.ge [sflag:s22], $0x4000  }
0x10b: {  	[sflag:s22] =	ssyncset.done $0x0  }
0x10c: {  	[sflag:s22] =	ssyncadd.s32 $0xFFFFC000  }
0x10d: {  	_ =	swait.ge [sflag:s23], $0x4000  }
0x10e: {  	[sflag:s23] =	ssyncset.done $0x0  }
0x10f: {  	[sflag:s23] =	ssyncadd.s32 $0xFFFFC000  }
0x110: {  	_ =	swait.ge [sflag:s24], $0x4000  }
0x111: {  	[sflag:s24] =	ssyncset.done $0x0  }
0x112: {  	s25 =	sadd.s32 $0x1, s25;
	[sflag:s24] =	ssyncadd.s32 $0xFFFFC000  }
0x113: {  	p1 =	sne.s32 s25, s1;
	_ =	swait.ge [sflag:s16], $0x4000  }
.Ltmp1:
0x114: {  	[sflag:s16] =	ssyncset.done $0x0;
	(pc) =	sbr.rel @p1 .LBB2_1-.Ltmp1, $4  }
0x115: {  	[sflag:s16] =	ssyncadd.s32 $0xFFFFC000  }
0x116: {  	_ =	swait.ge [sflag:s18], $0x4000  }
0x117: {  	[sflag:s18] =	ssyncset.done $0x0  }
0x118: {  	[sflag:s18] =	ssyncadd.s32 $0xFFFFC000  }
0x119: {  	_ =	sfence.sel $0x180000  }
0x11a: {  	[bflag:$0x0] =	sbarrier.arrive $0xFFFF  }
0x11b: {  	_ =	strace $0x90000047  }
0x11c: {  	[bflag:$0x2] =	sbarrier.arrive $0xFFFF  }
0x11d: {  	s0 =	rddreg [dreg:$0x4]  }
0x11e: {  	s0 =	sadd.s32 @!p0 $0x100000, s0  }
0x11f: {  	[sflag:s0] =	ssyncadd.tile.s32 @!p0 $0x1;
	_ =	shalt  }
.Lfunc_end2:
_tile_overlayer_lowered:
.L_overlay_start_2:
0x120: {  	(tag) =	ssettag $0x2  }
0x121: {  	s0 =	rddreg [dreg:$0x0];
	s2 =	stileid.u32  }
0x122: {  	s1 =	rddreg [dreg:$0x1];
	p0 =	sne.s32 s2, $0x0  }
0x123: {  	s3 =	rddreg [dreg:$0x2];
	[bflag:$0x3] =	sbarrier.arrive $0xFFFF;
	s2 =	simm.s32 @!p0 $0x1C0D  }
0x124: {  	[timem:s3], [sflag:s2] =	dma.local @!p0 [hbm:s0], s1  }
0x125: {  	s0 =	simm.s32 @!p0 $0xD  }
0x126: {  	_ =	swait.ge @!p0 [sflag:s0], s1  }
0x127: {  	s1 =	ssub.s32 @!p0 $0x0, s1;
	[sflag:s0] =	ssyncset.done @!p0 $0x0  }
0x128: {  	[sflag:s0] =	ssyncadd.s32 @!p0 s1  }
0x129: {  	[bflag:$0x3] =	sbarrier.arrive $0xFFFF  }
0x12a: {  	_ =	shalt  }

</sc_bundles>
